<compile_context>
chip_gen: v7x
topology: tpu7x:2x2x1
jax: 0.10.2.dev20260603
libtpu: 0.0.44.dev20260713+nightly
codegen_flags: <defaults>
</compile_context>

<pallas_src>
import functools

import jax
import jax.numpy as jnp
from jax import lax
from jax.experimental import pallas as pl
from jax.experimental.pallas import tpu as pltpu
from jax.experimental.pallas import tpu_sc as plsc

NUM_WORKERS = 32
CHUNK = 832
NBUF = 4


def _emb_gather(idx_hbm, table_hbm, out_hbm, idx_v, rows_v, gsems, wsems,
                *, b_per_w, n_chunks):
    wid = lax.axis_index("s") * 2 + lax.axis_index("c")
    base = wid * b_per_w

    pltpu.sync_copy(idx_hbm.at[pl.ds(base, b_per_w)], idx_v)

    def gather_start(ch, b):
        pltpu.async_copy(
            table_hbm.at[idx_v.at[pl.ds(ch * CHUNK, CHUNK)]],
            rows_v.at[b], gsems.at[b])

    def gather_wait(ch, b):
        pltpu.make_async_copy(
            table_hbm.at[idx_v.at[pl.ds(ch * CHUNK, CHUNK)]],
            rows_v.at[b], gsems.at[b]).wait()

    def writeback_start(ch, b):
        pltpu.async_copy(
            rows_v.at[b], out_hbm.at[pl.ds(base + ch * CHUNK, CHUNK)],
            wsems.at[b])

    def writeback_wait(ch, b):
        pltpu.make_async_copy(
            rows_v.at[b], out_hbm.at[pl.ds(base + ch * CHUNK, CHUNK)],
            wsems.at[b]).wait()

    for b in range(min(NBUF, n_chunks)):
        gather_start(b, b)
    for ch in range(n_chunks):
        b = ch % NBUF
        gather_wait(ch, b)
        writeback_start(ch, b)
        if ch + NBUF < n_chunks:
            writeback_wait(ch, b)
            gather_start(ch + NBUF, b)
    for ch in range(max(0, n_chunks - NBUF), n_chunks):
        writeback_wait(ch, ch % NBUF)


def kernel(token_ids, embeddings):
    batch, fields = token_ids.shape
    num_rows, dim = embeddings.shape
    total = batch * fields
    b_per_w = total // NUM_WORKERS
    n_chunks = b_per_w // CHUNK

    idx_flat = token_ids.reshape(total).astype(jnp.int32)

    mesh = plsc.VectorSubcoreMesh(core_axis_name="c", subcore_axis_name="s")
    gather = functools.partial(
        pl.kernel,
        mesh=mesh,
        out_type=jax.ShapeDtypeStruct((total, dim), jnp.float32),
        scratch_types=[
            pltpu.VMEM((b_per_w,), jnp.int32),
            pltpu.VMEM((NBUF, CHUNK, dim), jnp.float32),
            pltpu.SemaphoreType.DMA((NBUF,)),
            pltpu.SemaphoreType.DMA((NBUF,)),
        ],
        compiler_params=pltpu.CompilerParams(use_tc_tiling_on_sc=False),
    )(functools.partial(_emb_gather, b_per_w=b_per_w, n_chunks=n_chunks))

    out = gather(idx_flat, embeddings)
    return out.reshape(batch, fields, dim)

# --- scband reference (transcript-rebuilt; emitter-appended) ---
"""Pipeline reference for scband-embedding-15573551415873 (READ-ONLY COPY).

The authoritative reference and input builder live on the scoring server;
editing this copy changes nothing except your own understanding.
"""

import jax, jax.numpy as jnp
import numpy as np

NUM_EMBEDDINGS = 1000000
EMBEDDING_DIM = 32
BATCH = 16384
FIELDS = 26

def setup_inputs(seed: int = 0) -> dict:
    key = jax.random.key(seed)
    k_idx, k_emb = jax.random.split(key)
    token_ids = jax.random.randint(k_idx, (BATCH, FIELDS), 0, NUM_EMBEDDINGS, dtype=jnp.int64 if jax.config.jax_enable_x64 else jnp.int32)
    # trunc_normal_(mean=0, std=1, a=-3, b=3)
    embeddings = jax.random.truncated_normal(k_emb, -3.0, 3.0, (NUM_EMBEDDINGS, EMBEDDING_DIM), dtype=jnp.float32)
    return {"token_ids": token_ids, "embeddings": embeddings}

def reference(token_ids, embeddings):
    # Faithful translation of Embedding.forward: self.embeddings[token_ids]
    return jnp.take(embeddings, token_ids, axis=0)

if __name__ == "__main__":
    import jax
    _d = setup_inputs()
    print(jax.jit(kernel)(*tuple(_d.values())))

</pallas_src>

<mosaic_0001>
#map = affine_map<(d0, d1) -> (0)>
#map1 = affine_map<(d0, d1) -> (0, 0)>
module attributes {stable_mosaic.version = 14 : i64} {
  func.func @_emb_gather(%arg0: i32, %arg1: i32, %arg2: memref<425984xi32, #tpu.memory_space<hbm>>, %arg3: memref<1000000x32xf32, #tpu.memory_space<hbm>>, %arg4: memref<425984x32xf32, #tpu.memory_space<hbm>>, %arg5: memref<13312xi32, #tpu.memory_space<vmem>>, %arg6: memref<4x832x32xf32, #tpu.memory_space<vmem>>, %arg7: memref<4x!tpu.dma_semaphore, #tpu.memory_space<semaphore_mem>>, %arg8: memref<4x!tpu.dma_semaphore, #tpu.memory_space<semaphore_mem>>) attributes {dimension_semantics = [#tpu.dimension_semantics<core_parallel>, #tpu.dimension_semantics<subcore_parallel>], iteration_bounds = array<i64: 2, 16>, scalar_prefetch = 0 : i64, scratch_operands = 4 : i64, tpu.core_type = #tpu.core_type<sc_vector_subcore>, window_params = [{transform_indices = #map}, {transform_indices = #map1}, {transform_indices = #map1}]} {
    %mul3A = arith.constant 2 : i32
    %mul3A_0 = arith.muli %arg1, %mul3A : i32
    %add3A = arith.addi %mul3A_0, %arg0 : i32
    %mul3A_1 = arith.constant 13312 : i32
    %mul3A_2 = arith.muli %add3A, %mul3A_1 : i32
    "tpu.region"() ({
      %run_scoped3A = tpu.sem_alloc : memref<!tpu.dma_semaphore, #tpu.memory_space<semaphore_mem>>
      %dma_start3A_993 = tpu.memref_slice %arg2[%mul3A_2] : memref<425984xi32, #tpu.memory_space<hbm>> -> memref<13312xi32, #tpu.memory_space<hbm>>
      %dma_start3A_994 = tpu.memref_slice %arg2[%mul3A_2] : memref<425984xi32, #tpu.memory_space<hbm>> -> memref<13312xi32, #tpu.memory_space<hbm>>
      tpu.enqueue_dma source(%dma_start3A_994 : memref<13312xi32, #tpu.memory_space<hbm>>) target(%arg5 : memref<13312xi32, #tpu.memory_space<vmem>>) target_semaphore(%run_scoped3A : memref<!tpu.dma_semaphore, #tpu.memory_space<semaphore_mem>>)
      %dma_wait3A_995 = tpu.memref_slice %arg2[%mul3A_2] : memref<425984xi32, #tpu.memory_space<hbm>> -> memref<13312xi32, #tpu.memory_space<hbm>>
      %dma_wait3A_996 = tpu.memref_slice %arg2[%mul3A_2] : memref<425984xi32, #tpu.memory_space<hbm>> -> memref<13312xi32, #tpu.memory_space<hbm>>
      tpu.wait_dma2 semaphore(%run_scoped3A : memref<!tpu.dma_semaphore, #tpu.memory_space<semaphore_mem>>) src(%dma_wait3A_996 : memref<13312xi32, #tpu.memory_space<hbm>>) dst(%arg5 : memref<13312xi32, #tpu.memory_space<vmem>>)
      tpu.yield
    }) : () -> ()
    %dma_start3A = arith.constant 0 : i32
    %dma_start3A_3 = arith.constant 0 : i32
    %dma_start3A_4 = arith.constant 0 : i32
    %dma_start3A_5 = arith.constant 0 : i32
    %dma_start3A_6 = tpu.memref_slice %arg6[%dma_start3A, %dma_start3A_4, %dma_start3A_5] : memref<4x832x32xf32, #tpu.memory_space<vmem>> -> memref<1x832x32xf32, #tpu.memory_space<vmem>>
    %dma_start3A_7 = tpu.memref_squeeze %dma_start3A_6 : memref<1x832x32xf32, #tpu.memory_space<vmem>> -> memref<832x32xf32, #tpu.memory_space<vmem>>
    %dma_start3A_8 = arith.constant 0 : i32
    %dma_start3A_9 = tpu.memref_slice %arg5[%dma_start3A_8] : memref<13312xi32, #tpu.memory_space<vmem>> -> memref<832xi32, #tpu.memory_space<vmem>>
    %dma_start3A_10 = arith.constant 0 : i32
    %dma_start3A_11 = arith.constant 0 : i32
    %dma_start3A_12 = tpu.memref_slice %arg3[%dma_start3A_10, %dma_start3A_11] : memref<1000000x32xf32, #tpu.memory_space<hbm>> -> memref<1000000x32xf32, #tpu.memory_space<hbm>>
    %dma_start3A_13 = tpu.memref_slice %arg7[%dma_start3A_3] : memref<4x!tpu.dma_semaphore, #tpu.memory_space<semaphore_mem>> -> memref<1x!tpu.dma_semaphore, #tpu.memory_space<semaphore_mem>>
    %dma_start3A_14 = tpu.memref_squeeze %dma_start3A_13 : memref<1x!tpu.dma_semaphore, #tpu.memory_space<semaphore_mem>> -> memref<!tpu.dma_semaphore, #tpu.memory_space<semaphore_mem>>
    tpu.enqueue_indirect_dma source(%dma_start3A_12 : memref<1000000x32xf32, #tpu.memory_space<hbm>>) target(%dma_start3A_7 : memref<832x32xf32, #tpu.memory_space<vmem>>) offsets(%dma_start3A_9 : memref<832xi32, #tpu.memory_space<vmem>>) semaphore(%dma_start3A_14 : memref<!tpu.dma_semaphore, #tpu.memory_space<semaphore_mem>>)
    %dma_start3A_15 = arith.constant 1 : i32
    %dma_start3A_16 = arith.constant 1 : i32
    %dma_start3A_17 = arith.constant 0 : i32
    %dma_start3A_18 = arith.constant 0 : i32
    %dma_start3A_19 = tpu.memref_slice %arg6[%dma_start3A_15, %dma_start3A_17, %dma_start3A_18] : memref<4x832x32xf32, #tpu.memory_space<vmem>> -> memref<1x832x32xf32, #tpu.memory_space<vmem>>
    %dma_start3A_20 = tpu.memref_squeeze %dma_start3A_19 : memref<1x832x32xf32, #tpu.memory_space<vmem>> -> memref<832x32xf32, #tpu.memory_space<vmem>>
    %dma_start3A_21 = arith.constant 832 : i32
    %dma_start3A_22 = tpu.memref_slice %arg5[%dma_start3A_21] : memref<13312xi32, #tpu.memory_space<vmem>> -> memref<832xi32, #tpu.memory_space<vmem>>
    %dma_start3A_23 = arith.constant 0 : i32
    %dma_start3A_24 = arith.constant 0 : i32
    %dma_start3A_25 = tpu.memref_slice %arg3[%dma_start3A_23, %dma_start3A_24] : memref<1000000x32xf32, #tpu.memory_space<hbm>> -> memref<1000000x32xf32, #tpu.memory_space<hbm>>
    %dma_start3A_26 = tpu.memref_slice %arg7[%dma_start3A_16] : memref<4x!tpu.dma_semaphore, #tpu.memory_space<semaphore_mem>> -> memref<1x!tpu.dma_semaphore, #tpu.memory_space<semaphore_mem>>
    %dma_start3A_27 = tpu.memref_squeeze %dma_start3A_26 : memref<1x!tpu.dma_semaphore, #tpu.memory_space<semaphore_mem>> -> memref<!tpu.dma_semaphore, #tpu.memory_space<semaphore_mem>>
    tpu.enqueue_indirect_dma source(%dma_start3A_25 : memref<1000000x32xf32, #tpu.memory_space<hbm>>) target(%dma_start3A_20 : memref<832x32xf32, #tpu.memory_space<vmem>>) offsets(%dma_start3A_22 : memref<832xi32, #tpu.memory_space<vmem>>) semaphore(%dma_start3A_27 : memref<!tpu.dma_semaphore, #tpu.memory_space<semaphore_mem>>)
    %dma_start3A_28 = arith.constant 2 : i32
    %dma_start3A_29 = arith.constant 2 : i32
    %dma_start3A_30 = arith.constant 0 : i32
    %dma_start3A_31 = arith.constant 0 : i32
    %dma_start3A_32 = tpu.memref_slice %arg6[%dma_start3A_28, %dma_start3A_30, %dma_start3A_31] : memref<4x832x32xf32, #tpu.memory_space<vmem>> -> memref<1x832x32xf32, #tpu.memory_space<vmem>>
    %dma_start3A_33 = tpu.memref_squeeze %dma_start3A_32 : memref<1x832x32xf32, #tpu.memory_space<vmem>> -> memref<832x32xf32, #tpu.memory_space<vmem>>
    %dma_start3A_34 = arith.constant 1664 : i32
    %dma_start3A_35 = tpu.memref_slice %arg5[%dma_start3A_34] : memref<13312xi32, #tpu.memory_space<vmem>> -> memref<832xi32, #tpu.memory_space<vmem>>
    %dma_start3A_36 = arith.constant 0 : i32
    %dma_start3A_37 = arith.constant 0 : i32
    %dma_start3A_38 = tpu.memref_slice %arg3[%dma_start3A_36, %dma_start3A_37] : memref<1000000x32xf32, #tpu.memory_space<hbm>> -> memref<1000000x32xf32, #tpu.memory_space<hbm>>
    %dma_start3A_39 = tpu.memref_slice %arg7[%dma_start3A_29] : memref<4x!tpu.dma_semaphore, #tpu.memory_space<semaphore_mem>> -> memref<1x!tpu.dma_semaphore, #tpu.memory_space<semaphore_mem>>
    %dma_start3A_40 = tpu.memref_squeeze %dma_start3A_39 : memref<1x!tpu.dma_semaphore, #tpu.memory_space<semaphore_mem>> -> memref<!tpu.dma_semaphore, #tpu.memory_space<semaphore_mem>>
    tpu.enqueue_indirect_dma source(%dma_start3A_38 : memref<1000000x32xf32, #tpu.memory_space<hbm>>) target(%dma_start3A_33 : memref<832x32xf32, #tpu.memory_space<vmem>>) offsets(%dma_start3A_35 : memref<832xi32, #tpu.memory_space<vmem>>) semaphore(%dma_start3A_40 : memref<!tpu.dma_semaphore, #tpu.memory_space<semaphore_mem>>)
    %dma_start3A_41 = arith.constant 3 : i32
    %dma_start3A_42 = arith.constant 3 : i32
    %dma_start3A_43 = arith.constant 0 : i32
    %dma_start3A_44 = arith.constant 0 : i32
    %dma_start3A_45 = tpu.memref_slice %arg6[%dma_start3A_41, %dma_start3A_43, %dma_start3A_44] : memref<4x832x32xf32, #tpu.memory_space<vmem>> -> memref<1x832x32xf32, #tpu.memory_space<vmem>>
    %dma_start3A_46 = tpu.memref_squeeze %dma_start3A_45 : memref<1x832x32xf32, #tpu.memory_space<vmem>> -> memref<832x32xf32, #tpu.memory_space<vmem>>
    %dma_start3A_47 = arith.constant 2496 : i32
    %dma_start3A_48 = tpu.memref_slice %arg5[%dma_start3A_47] : memref<13312xi32, #tpu.memory_space<vmem>> -> memref<832xi32, #tpu.memory_space<vmem>>
    %dma_start3A_49 = arith.constant 0 : i32
    %dma_start3A_50 = arith.constant 0 : i32
    %dma_start3A_51 = tpu.memref_slice %arg3[%dma_start3A_49, %dma_start3A_50] : memref<1000000x32xf32, #tpu.memory_space<hbm>> -> memref<1000000x32xf32, #tpu.memory_space<hbm>>
    %dma_start3A_52 = tpu.memref_slice %arg7[%dma_start3A_42] : memref<4x!tpu.dma_semaphore, #tpu.memory_space<semaphore_mem>> -> memref<1x!tpu.dma_semaphore, #tpu.memory_space<semaphore_mem>>
    %dma_start3A_53 = tpu.memref_squeeze %dma_start3A_52 : memref<1x!tpu.dma_semaphore, #tpu.memory_space<semaphore_mem>> -> memref<!tpu.dma_semaphore, #tpu.memory_space<semaphore_mem>>
    tpu.enqueue_indirect_dma source(%dma_start3A_51 : memref<1000000x32xf32, #tpu.memory_space<hbm>>) target(%dma_start3A_46 : memref<832x32xf32, #tpu.memory_space<vmem>>) offsets(%dma_start3A_48 : memref<832xi32, #tpu.memory_space<vmem>>) semaphore(%dma_start3A_53 : memref<!tpu.dma_semaphore, #tpu.memory_space<semaphore_mem>>)
    %dma_wait3A = arith.constant 0 : i32
    %dma_wait3A_54 = arith.constant 0 : i32
    %dma_wait3A_55 = arith.constant 0 : i32
    %dma_wait3A_56 = arith.constant 0 : i32
    %dma_wait3A_57 = tpu.memref_slice %arg6[%dma_wait3A, %dma_wait3A_55, %dma_wait3A_56] : memref<4x832x32xf32, #tpu.memory_space<vmem>> -> memref<1x832x32xf32, #tpu.memory_space<vmem>>
    %dma_wait3A_58 = tpu.memref_squeeze %dma_wait3A_57 : memref<1x832x32xf32, #tpu.memory_space<vmem>> -> memref<832x32xf32, #tpu.memory_space<vmem>>
    %dma_wait3A_59 = arith.constant 0 : i32
    %dma_wait3A_60 = tpu.memref_slice %arg5[%dma_wait3A_59] : memref<13312xi32, #tpu.memory_space<vmem>> -> memref<832xi32, #tpu.memory_space<vmem>>
    %dma_wait3A_61 = arith.constant 0 : i32
    %dma_wait3A_62 = arith.constant 0 : i32
    %dma_wait3A_63 = tpu.memref_slice %arg3[%dma_wait3A_61, %dma_wait3A_62] : memref<1000000x32xf32, #tpu.memory_space<hbm>> -> memref<1000000x32xf32, #tpu.memory_space<hbm>>
    %dma_wait3A_64 = tpu.memref_slice %arg7[%dma_wait3A_54] : memref<4x!tpu.dma_semaphore, #tpu.memory_space<semaphore_mem>> -> memref<1x!tpu.dma_semaphore, #tpu.memory_space<semaphore_mem>>
    %dma_wait3A_65 = tpu.memref_squeeze %dma_wait3A_64 : memref<1x!tpu.dma_semaphore, #tpu.memory_space<semaphore_mem>> -> memref<!tpu.dma_semaphore, #tpu.memory_space<semaphore_mem>>
    tpu.wait_indirect_dma semaphore(%dma_wait3A_65 : memref<!tpu.dma_semaphore, #tpu.memory_space<semaphore_mem>>) src(%dma_wait3A_63 : memref<1000000x32xf32, #tpu.memory_space<hbm>>) dst(%dma_wait3A_58 : memref<832x32xf32, #tpu.memory_space<vmem>>)
    %add3A_66 = arith.constant 0 : i32
    %add3A_67 = arith.addi %mul3A_2, %add3A_66 : i32
    %dma_start3A_68 = arith.constant 0 : i32
    %dma_start3A_69 = arith.constant 0 : i32
    %dma_start3A_70 = arith.constant 0 : i32
    %dma_start3A_71 = arith.constant 0 : i32
    %dma_start3A_72 = tpu.memref_slice %arg6[%dma_start3A_68, %dma_start3A_70, %dma_start3A_71] : memref<4x832x32xf32, #tpu.memory_space<vmem>> -> memref<1x832x32xf32, #tpu.memory_space<vmem>>
    %dma_start3A_73 = tpu.memref_squeeze %dma_start3A_72 : memref<1x832x32xf32, #tpu.memory_space<vmem>> -> memref<832x32xf32, #tpu.memory_space<vmem>>
    %dma_start3A_74 = arith.constant 0 : i32
    %dma_start3A_75 = tpu.memref_slice %arg4[%add3A_67, %dma_start3A_74] : memref<425984x32xf32, #tpu.memory_space<hbm>> -> memref<832x32xf32, #tpu.memory_space<hbm>>
    %dma_start3A_76 = tpu.memref_slice %arg8[%dma_start3A_69] : memref<4x!tpu.dma_semaphore, #tpu.memory_space<semaphore_mem>> -> memref<1x!tpu.dma_semaphore, #tpu.memory_space<semaphore_mem>>
    %dma_start3A_77 = tpu.memref_squeeze %dma_start3A_76 : memref<1x!tpu.dma_semaphore, #tpu.memory_space<semaphore_mem>> -> memref<!tpu.dma_semaphore, #tpu.memory_space<semaphore_mem>>
    %dma_start3A_78 = arith.constant 0 : i32
    %dma_start3A_79 = tpu.memref_slice %arg4[%add3A_67, %dma_start3A_78] : memref<425984x32xf32, #tpu.memory_space<hbm>> -> memref<832x32xf32, #tpu.memory_space<hbm>>
    %dma_start3A_80 = arith.constant 0 : i32
    %dma_start3A_81 = arith.constant 0 : i32
    %dma_start3A_82 = tpu.memref_slice %arg6[%dma_start3A_68, %dma_start3A_80, %dma_start3A_81] : memref<4x832x32xf32, #tpu.memory_space<vmem>> -> memref<1x832x32xf32, #tpu.memory_space<vmem>>
    %dma_start3A_83 = tpu.memref_squeeze %dma_start3A_82 : memref<1x832x32xf32, #tpu.memory_space<vmem>> -> memref<832x32xf32, #tpu.memory_space<vmem>>
    tpu.enqueue_dma source(%dma_start3A_83 : memref<832x32xf32, #tpu.memory_space<vmem>>) target(%dma_start3A_79 : memref<832x32xf32, #tpu.memory_space<hbm>>) target_semaphore(%dma_start3A_77 : memref<!tpu.dma_semaphore, #tpu.memory_space<semaphore_mem>>)
    %add3A_84 = arith.constant 0 : i32
    %add3A_85 = arith.addi %mul3A_2, %add3A_84 : i32
    %dma_wait3A_86 = arith.constant 0 : i32
    %dma_wait3A_87 = arith.constant 0 : i32
    %dma_wait3A_88 = arith.constant 0 : i32
    %dma_wait3A_89 = arith.constant 0 : i32
    %dma_wait3A_90 = tpu.memref_slice %arg6[%dma_wait3A_86, %dma_wait3A_88, %dma_wait3A_89] : memref<4x832x32xf32, #tpu.memory_space<vmem>> -> memref<1x832x32xf32, #tpu.memory_space<vmem>>
    %dma_wait3A_91 = tpu.memref_squeeze %dma_wait3A_90 : memref<1x832x32xf32, #tpu.memory_space<vmem>> -> memref<832x32xf32, #tpu.memory_space<vmem>>
    %dma_wait3A_92 = arith.constant 0 : i32
    %dma_wait3A_93 = tpu.memref_slice %arg4[%add3A_85, %dma_wait3A_92] : memref<425984x32xf32, #tpu.memory_space<hbm>> -> memref<832x32xf32, #tpu.memory_space<hbm>>
    %dma_wait3A_94 = tpu.memref_slice %arg8[%dma_wait3A_87] : memref<4x!tpu.dma_semaphore, #tpu.memory_space<semaphore_mem>> -> memref<1x!tpu.dma_semaphore, #tpu.memory_space<semaphore_mem>>
    %dma_wait3A_95 = tpu.memref_squeeze %dma_wait3A_94 : memref<1x!tpu.dma_semaphore, #tpu.memory_space<semaphore_mem>> -> memref<!tpu.dma_semaphore, #tpu.memory_space<semaphore_mem>>
    %dma_wait3A_96 = arith.constant 0 : i32
    %dma_wait3A_97 = tpu.memref_slice %arg4[%add3A_85, %dma_wait3A_96] : memref<425984x32xf32, #tpu.memory_space<hbm>> -> memref<832x32xf32, #tpu.memory_space<hbm>>
    %dma_wait3A_98 = arith.constant 0 : i32
    %dma_wait3A_99 = arith.constant 0 : i32
    %dma_wait3A_100 = tpu.memref_slice %arg6[%dma_wait3A_86, %dma_wait3A_98, %dma_wait3A_99] : memref<4x832x32xf32, #tpu.memory_space<vmem>> -> memref<1x832x32xf32, #tpu.memory_space<vmem>>
    %dma_wait3A_101 = tpu.memref_squeeze %dma_wait3A_100 : memref<1x832x32xf32, #tpu.memory_space<vmem>> -> memref<832x32xf32, #tpu.memory_space<vmem>>
    tpu.wait_dma2 semaphore(%dma_wait3A_95 : memref<!tpu.dma_semaphore, #tpu.memory_space<semaphore_mem>>) src(%dma_wait3A_101 : memref<832x32xf32, #tpu.memory_space<vmem>>) dst(%dma_wait3A_97 : memref<832x32xf32, #tpu.memory_space<hbm>>)
    %dma_start3A_102 = arith.constant 0 : i32
    %dma_start3A_103 = arith.constant 0 : i32
    %dma_start3A_104 = arith.constant 0 : i32
    %dma_start3A_105 = arith.constant 0 : i32
    %dma_start3A_106 = tpu.memref_slice %arg6[%dma_start3A_102, %dma_start3A_104, %dma_start3A_105] : memref<4x832x32xf32, #tpu.memory_space<vmem>> -> memref<1x832x32xf32, #tpu.memory_space<vmem>>
    %dma_start3A_107 = tpu.memref_squeeze %dma_start3A_106 : memref<1x832x32xf32, #tpu.memory_space<vmem>> -> memref<832x32xf32, #tpu.memory_space<vmem>>
    %dma_start3A_108 = arith.constant 3328 : i32
    %dma_start3A_109 = tpu.memref_slice %arg5[%dma_start3A_108] : memref<13312xi32, #tpu.memory_space<vmem>> -> memref<832xi32, #tpu.memory_space<vmem>>
    %dma_start3A_110 = arith.constant 0 : i32
    %dma_start3A_111 = arith.constant 0 : i32
    %dma_start3A_112 = tpu.memref_slice %arg3[%dma_start3A_110, %dma_start3A_111] : memref<1000000x32xf32, #tpu.memory_space<hbm>> -> memref<1000000x32xf32, #tpu.memory_space<hbm>>
    %dma_start3A_113 = tpu.memref_slice %arg7[%dma_start3A_103] : memref<4x!tpu.dma_semaphore, #tpu.memory_space<semaphore_mem>> -> memref<1x!tpu.dma_semaphore, #tpu.memory_space<semaphore_mem>>
    %dma_start3A_114 = tpu.memref_squeeze %dma_start3A_113 : memref<1x!tpu.dma_semaphore, #tpu.memory_space<semaphore_mem>> -> memref<!tpu.dma_semaphore, #tpu.memory_space<semaphore_mem>>
    tpu.enqueue_indirect_dma source(%dma_start3A_112 : memref<1000000x32xf32, #tpu.memory_space<hbm>>) target(%dma_start3A_107 : memref<832x32xf32, #tpu.memory_space<vmem>>) offsets(%dma_start3A_109 : memref<832xi32, #tpu.memory_space<vmem>>) semaphore(%dma_start3A_114 : memref<!tpu.dma_semaphore, #tpu.memory_space<semaphore_mem>>)
    %dma_wait3A_115 = arith.constant 1 : i32
    %dma_wait3A_116 = arith.constant 1 : i32
    %dma_wait3A_117 = arith.constant 0 : i32
    %dma_wait3A_118 = arith.constant 0 : i32
    %dma_wait3A_119 = tpu.memref_slice %arg6[%dma_wait3A_115, %dma_wait3A_117, %dma_wait3A_118] : memref<4x832x32xf32, #tpu.memory_space<vmem>> -> memref<1x832x32xf32, #tpu.memory_space<vmem>>
    %dma_wait3A_120 = tpu.memref_squeeze %dma_wait3A_119 : memref<1x832x32xf32, #tpu.memory_space<vmem>> -> memref<832x32xf32, #tpu.memory_space<vmem>>
    %dma_wait3A_121 = arith.constant 832 : i32
    %dma_wait3A_122 = tpu.memref_slice %arg5[%dma_wait3A_121] : memref<13312xi32, #tpu.memory_space<vmem>> -> memref<832xi32, #tpu.memory_space<vmem>>
    %dma_wait3A_123 = arith.constant 0 : i32
    %dma_wait3A_124 = arith.constant 0 : i32
    %dma_wait3A_125 = tpu.memref_slice %arg3[%dma_wait3A_123, %dma_wait3A_124] : memref<1000000x32xf32, #tpu.memory_space<hbm>> -> memref<1000000x32xf32, #tpu.memory_space<hbm>>
    %dma_wait3A_126 = tpu.memref_slice %arg7[%dma_wait3A_116] : memref<4x!tpu.dma_semaphore, #tpu.memory_space<semaphore_mem>> -> memref<1x!tpu.dma_semaphore, #tpu.memory_space<semaphore_mem>>
    %dma_wait3A_127 = tpu.memref_squeeze %dma_wait3A_126 : memref<1x!tpu.dma_semaphore, #tpu.memory_space<semaphore_mem>> -> memref<!tpu.dma_semaphore, #tpu.memory_space<semaphore_mem>>
    tpu.wait_indirect_dma semaphore(%dma_wait3A_127 : memref<!tpu.dma_semaphore, #tpu.memory_space<semaphore_mem>>) src(%dma_wait3A_125 : memref<1000000x32xf32, #tpu.memory_space<hbm>>) dst(%dma_wait3A_120 : memref<832x32xf32, #tpu.memory_space<vmem>>)
    %add3A_128 = arith.constant 832 : i32
    %add3A_129 = arith.addi %mul3A_2, %add3A_128 : i32
    %dma_start3A_130 = arith.constant 1 : i32
    %dma_start3A_131 = arith.constant 1 : i32
    %dma_start3A_132 = arith.constant 0 : i32
    %dma_start3A_133 = arith.constant 0 : i32
    %dma_start3A_134 = tpu.memref_slice %arg6[%dma_start3A_130, %dma_start3A_132, %dma_start3A_133] : memref<4x832x32xf32, #tpu.memory_space<vmem>> -> memref<1x832x32xf32, #tpu.memory_space<vmem>>
    %dma_start3A_135 = tpu.memref_squeeze %dma_start3A_134 : memref<1x832x32xf32, #tpu.memory_space<vmem>> -> memref<832x32xf32, #tpu.memory_space<vmem>>
    %dma_start3A_136 = arith.constant 0 : i32
    %dma_start3A_137 = tpu.memref_slice %arg4[%add3A_129, %dma_start3A_136] : memref<425984x32xf32, #tpu.memory_space<hbm>> -> memref<832x32xf32, #tpu.memory_space<hbm>>
    %dma_start3A_138 = tpu.memref_slice %arg8[%dma_start3A_131] : memref<4x!tpu.dma_semaphore, #tpu.memory_space<semaphore_mem>> -> memref<1x!tpu.dma_semaphore, #tpu.memory_space<semaphore_mem>>
    %dma_start3A_139 = tpu.memref_squeeze %dma_start3A_138 : memref<1x!tpu.dma_semaphore, #tpu.memory_space<semaphore_mem>> -> memref<!tpu.dma_semaphore, #tpu.memory_space<semaphore_mem>>
    %dma_start3A_140 = arith.constant 0 : i32
    %dma_start3A_141 = tpu.memref_slice %arg4[%add3A_129, %dma_start3A_140] : memref<425984x32xf32, #tpu.memory_space<hbm>> -> memref<832x32xf32, #tpu.memory_space<hbm>>
    %dma_start3A_142 = arith.constant 0 : i32
    %dma_start3A_143 = arith.constant 0 : i32
    %dma_start3A_144 = tpu.memref_slice %arg6[%dma_start3A_130, %dma_start3A_142, %dma_start3A_143] : memref<4x832x32xf32, #tpu.memory_space<vmem>> -> memref<1x832x32xf32, #tpu.memory_space<vmem>>
    %dma_start3A_145 = tpu.memref_squeeze %dma_start3A_144 : memref<1x832x32xf32, #tpu.memory_space<vmem>> -> memref<832x32xf32, #tpu.memory_space<vmem>>
    tpu.enqueue_dma source(%dma_start3A_145 : memref<832x32xf32, #tpu.memory_space<vmem>>) target(%dma_start3A_141 : memref<832x32xf32, #tpu.memory_space<hbm>>) target_semaphore(%dma_start3A_139 : memref<!tpu.dma_semaphore, #tpu.memory_space<semaphore_mem>>)
    %add3A_146 = arith.constant 832 : i32
    %add3A_147 = arith.addi %mul3A_2, %add3A_146 : i32
    %dma_wait3A_148 = arith.constant 1 : i32
    %dma_wait3A_149 = arith.constant 1 : i32
    %dma_wait3A_150 = arith.constant 0 : i32
    %dma_wait3A_151 = arith.constant 0 : i32
    %dma_wait3A_152 = tpu.memref_slice %arg6[%dma_wait3A_148, %dma_wait3A_150, %dma_wait3A_151] : memref<4x832x32xf32, #tpu.memory_space<vmem>> -> memref<1x832x32xf32, #tpu.memory_space<vmem>>
    %dma_wait3A_153 = tpu.memref_squeeze %dma_wait3A_152 : memref<1x832x32xf32, #tpu.memory_space<vmem>> -> memref<832x32xf32, #tpu.memory_space<vmem>>
    %dma_wait3A_154 = arith.constant 0 : i32
    %dma_wait3A_155 = tpu.memref_slice %arg4[%add3A_147, %dma_wait3A_154] : memref<425984x32xf32, #tpu.memory_space<hbm>> -> memref<832x32xf32, #tpu.memory_space<hbm>>
    %dma_wait3A_156 = tpu.memref_slice %arg8[%dma_wait3A_149] : memref<4x!tpu.dma_semaphore, #tpu.memory_space<semaphore_mem>> -> memref<1x!tpu.dma_semaphore, #tpu.memory_space<semaphore_mem>>
    %dma_wait3A_157 = tpu.memref_squeeze %dma_wait3A_156 : memref<1x!tpu.dma_semaphore, #tpu.memory_space<semaphore_mem>> -> memref<!tpu.dma_semaphore, #tpu.memory_space<semaphore_mem>>
    %dma_wait3A_158 = arith.constant 0 : i32
    %dma_wait3A_159 = tpu.memref_slice %arg4[%add3A_147, %dma_wait3A_158] : memref<425984x32xf32, #tpu.memory_space<hbm>> -> memref<832x32xf32, #tpu.memory_space<hbm>>
    %dma_wait3A_160 = arith.constant 0 : i32
    %dma_wait3A_161 = arith.constant 0 : i32
    %dma_wait3A_162 = tpu.memref_slice %arg6[%dma_wait3A_148, %dma_wait3A_160, %dma_wait3A_161] : memref<4x832x32xf32, #tpu.memory_space<vmem>> -> memref<1x832x32xf32, #tpu.memory_space<vmem>>
    %dma_wait3A_163 = tpu.memref_squeeze %dma_wait3A_162 : memref<1x832x32xf32, #tpu.memory_space<vmem>> -> memref<832x32xf32, #tpu.memory_space<vmem>>
    tpu.wait_dma2 semaphore(%dma_wait3A_157 : memref<!tpu.dma_semaphore, #tpu.memory_space<semaphore_mem>>) src(%dma_wait3A_163 : memref<832x32xf32, #tpu.memory_space<vmem>>) dst(%dma_wait3A_159 : memref<832x32xf32, #tpu.memory_space<hbm>>)
    %dma_start3A_164 = arith.constant 1 : i32
    %dma_start3A_165 = arith.constant 1 : i32
    %dma_start3A_166 = arith.constant 0 : i32
    %dma_start3A_167 = arith.constant 0 : i32
    %dma_start3A_168 = tpu.memref_slice %arg6[%dma_start3A_164, %dma_start3A_166, %dma_start3A_167] : memref<4x832x32xf32, #tpu.memory_space<vmem>> -> memref<1x832x32xf32, #tpu.memory_space<vmem>>
    %dma_start3A_169 = tpu.memref_squeeze %dma_start3A_168 : memref<1x832x32xf32, #tpu.memory_space<vmem>> -> memref<832x32xf32, #tpu.memory_space<vmem>>
    %dma_start3A_170 = arith.constant 4160 : i32
    %dma_start3A_171 = tpu.memref_slice %arg5[%dma_start3A_170] : memref<13312xi32, #tpu.memory_space<vmem>> -> memref<832xi32, #tpu.memory_space<vmem>>
    %dma_start3A_172 = arith.constant 0 : i32
    %dma_start3A_173 = arith.constant 0 : i32
    %dma_start3A_174 = tpu.memref_slice %arg3[%dma_start3A_172, %dma_start3A_173] : memref<1000000x32xf32, #tpu.memory_space<hbm>> -> memref<1000000x32xf32, #tpu.memory_space<hbm>>
    %dma_start3A_175 = tpu.memref_slice %arg7[%dma_start3A_165] : memref<4x!tpu.dma_semaphore, #tpu.memory_space<semaphore_mem>> -> memref<1x!tpu.dma_semaphore, #tpu.memory_space<semaphore_mem>>
    %dma_start3A_176 = tpu.memref_squeeze %dma_start3A_175 : memref<1x!tpu.dma_semaphore, #tpu.memory_space<semaphore_mem>> -> memref<!tpu.dma_semaphore, #tpu.memory_space<semaphore_mem>>
    tpu.enqueue_indirect_dma source(%dma_start3A_174 : memref<1000000x32xf32, #tpu.memory_space<hbm>>) target(%dma_start3A_169 : memref<832x32xf32, #tpu.memory_space<vmem>>) offsets(%dma_start3A_171 : memref<832xi32, #tpu.memory_space<vmem>>) semaphore(%dma_start3A_176 : memref<!tpu.dma_semaphore, #tpu.memory_space<semaphore_mem>>)
    %dma_wait3A_177 = arith.constant 2 : i32
    %dma_wait3A_178 = arith.constant 2 : i32
    %dma_wait3A_179 = arith.constant 0 : i32
    %dma_wait3A_180 = arith.constant 0 : i32
    %dma_wait3A_181 = tpu.memref_slice %arg6[%dma_wait3A_177, %dma_wait3A_179, %dma_wait3A_180] : memref<4x832x32xf32, #tpu.memory_space<vmem>> -> memref<1x832x32xf32, #tpu.memory_space<vmem>>
    %dma_wait3A_182 = tpu.memref_squeeze %dma_wait3A_181 : memref<1x832x32xf32, #tpu.memory_space<vmem>> -> memref<832x32xf32, #tpu.memory_space<vmem>>
    %dma_wait3A_183 = arith.constant 1664 : i32
    %dma_wait3A_184 = tpu.memref_slice %arg5[%dma_wait3A_183] : memref<13312xi32, #tpu.memory_space<vmem>> -> memref<832xi32, #tpu.memory_space<vmem>>
    %dma_wait3A_185 = arith.constant 0 : i32
    %dma_wait3A_186 = arith.constant 0 : i32
    %dma_wait3A_187 = tpu.memref_slice %arg3[%dma_wait3A_185, %dma_wait3A_186] : memref<1000000x32xf32, #tpu.memory_space<hbm>> -> memref<1000000x32xf32, #tpu.memory_space<hbm>>
    %dma_wait3A_188 = tpu.memref_slice %arg7[%dma_wait3A_178] : memref<4x!tpu.dma_semaphore, #tpu.memory_space<semaphore_mem>> -> memref<1x!tpu.dma_semaphore, #tpu.memory_space<semaphore_mem>>
    %dma_wait3A_189 = tpu.memref_squeeze %dma_wait3A_188 : memref<1x!tpu.dma_semaphore, #tpu.memory_space<semaphore_mem>> -> memref<!tpu.dma_semaphore, #tpu.memory_space<semaphore_mem>>
    tpu.wait_indirect_dma semaphore(%dma_wait3A_189 : memref<!tpu.dma_semaphore, #tpu.memory_space<semaphore_mem>>) src(%dma_wait3A_187 : memref<1000000x32xf32, #tpu.memory_space<hbm>>) dst(%dma_wait3A_182 : memref<832x32xf32, #tpu.memory_space<vmem>>)
    %add3A_190 = arith.constant 1664 : i32
    %add3A_191 = arith.addi %mul3A_2, %add3A_190 : i32
    %dma_start3A_192 = arith.constant 2 : i32
    %dma_start3A_193 = arith.constant 2 : i32
    %dma_start3A_194 = arith.constant 0 : i32
    %dma_start3A_195 = arith.constant 0 : i32
    %dma_start3A_196 = tpu.memref_slice %arg6[%dma_start3A_192, %dma_start3A_194, %dma_start3A_195] : memref<4x832x32xf32, #tpu.memory_space<vmem>> -> memref<1x832x32xf32, #tpu.memory_space<vmem>>
    %dma_start3A_197 = tpu.memref_squeeze %dma_start3A_196 : memref<1x832x32xf32, #tpu.memory_space<vmem>> -> memref<832x32xf32, #tpu.memory_space<vmem>>
    %dma_start3A_198 = arith.constant 0 : i32
    %dma_start3A_199 = tpu.memref_slice %arg4[%add3A_191, %dma_start3A_198] : memref<425984x32xf32, #tpu.memory_space<hbm>> -> memref<832x32xf32, #tpu.memory_space<hbm>>
    %dma_start3A_200 = tpu.memref_slice %arg8[%dma_start3A_193] : memref<4x!tpu.dma_semaphore, #tpu.memory_space<semaphore_mem>> -> memref<1x!tpu.dma_semaphore, #tpu.memory_space<semaphore_mem>>
    %dma_start3A_201 = tpu.memref_squeeze %dma_start3A_200 : memref<1x!tpu.dma_semaphore, #tpu.memory_space<semaphore_mem>> -> memref<!tpu.dma_semaphore, #tpu.memory_space<semaphore_mem>>
    %dma_start3A_202 = arith.constant 0 : i32
    %dma_start3A_203 = tpu.memref_slice %arg4[%add3A_191, %dma_start3A_202] : memref<425984x32xf32, #tpu.memory_space<hbm>> -> memref<832x32xf32, #tpu.memory_space<hbm>>
    %dma_start3A_204 = arith.constant 0 : i32
    %dma_start3A_205 = arith.constant 0 : i32
    %dma_start3A_206 = tpu.memref_slice %arg6[%dma_start3A_192, %dma_start3A_204, %dma_start3A_205] : memref<4x832x32xf32, #tpu.memory_space<vmem>> -> memref<1x832x32xf32, #tpu.memory_space<vmem>>
    %dma_start3A_207 = tpu.memref_squeeze %dma_start3A_206 : memref<1x832x32xf32, #tpu.memory_space<vmem>> -> memref<832x32xf32, #tpu.memory_space<vmem>>
    tpu.enqueue_dma source(%dma_start3A_207 : memref<832x32xf32, #tpu.memory_space<vmem>>) target(%dma_start3A_203 : memref<832x32xf32, #tpu.memory_space<hbm>>) target_semaphore(%dma_start3A_201 : memref<!tpu.dma_semaphore, #tpu.memory_space<semaphore_mem>>)
    %add3A_208 = arith.constant 1664 : i32
    %add3A_209 = arith.addi %mul3A_2, %add3A_208 : i32
    %dma_wait3A_210 = arith.constant 2 : i32
    %dma_wait3A_211 = arith.constant 2 : i32
    %dma_wait3A_212 = arith.constant 0 : i32
    %dma_wait3A_213 = arith.constant 0 : i32
    %dma_wait3A_214 = tpu.memref_slice %arg6[%dma_wait3A_210, %dma_wait3A_212, %dma_wait3A_213] : memref<4x832x32xf32, #tpu.memory_space<vmem>> -> memref<1x832x32xf32, #tpu.memory_space<vmem>>
    %dma_wait3A_215 = tpu.memref_squeeze %dma_wait3A_214 : memref<1x832x32xf32, #tpu.memory_space<vmem>> -> memref<832x32xf32, #tpu.memory_space<vmem>>
    %dma_wait3A_216 = arith.constant 0 : i32
    %dma_wait3A_217 = tpu.memref_slice %arg4[%add3A_209, %dma_wait3A_216] : memref<425984x32xf32, #tpu.memory_space<hbm>> -> memref<832x32xf32, #tpu.memory_space<hbm>>
    %dma_wait3A_218 = tpu.memref_slice %arg8[%dma_wait3A_211] : memref<4x!tpu.dma_semaphore, #tpu.memory_space<semaphore_mem>> -> memref<1x!tpu.dma_semaphore, #tpu.memory_space<semaphore_mem>>
    %dma_wait3A_219 = tpu.memref_squeeze %dma_wait3A_218 : memref<1x!tpu.dma_semaphore, #tpu.memory_space<semaphore_mem>> -> memref<!tpu.dma_semaphore, #tpu.memory_space<semaphore_mem>>
    %dma_wait3A_220 = arith.constant 0 : i32
    %dma_wait3A_221 = tpu.memref_slice %arg4[%add3A_209, %dma_wait3A_220] : memref<425984x32xf32, #tpu.memory_space<hbm>> -> memref<832x32xf32, #tpu.memory_space<hbm>>
    %dma_wait3A_222 = arith.constant 0 : i32
    %dma_wait3A_223 = arith.constant 0 : i32
    %dma_wait3A_224 = tpu.memref_slice %arg6[%dma_wait3A_210, %dma_wait3A_222, %dma_wait3A_223] : memref<4x832x32xf32, #tpu.memory_space<vmem>> -> memref<1x832x32xf32, #tpu.memory_space<vmem>>
    %dma_wait3A_225 = tpu.memref_squeeze %dma_wait3A_224 : memref<1x832x32xf32, #tpu.memory_space<vmem>> -> memref<832x32xf32, #tpu.memory_space<vmem>>
    tpu.wait_dma2 semaphore(%dma_wait3A_219 : memref<!tpu.dma_semaphore, #tpu.memory_space<semaphore_mem>>) src(%dma_wait3A_225 : memref<832x32xf32, #tpu.memory_space<vmem>>) dst(%dma_wait3A_221 : memref<832x32xf32, #tpu.memory_space<hbm>>)
    %dma_start3A_226 = arith.constant 2 : i32
    %dma_start3A_227 = arith.constant 2 : i32
    %dma_start3A_228 = arith.constant 0 : i32
    %dma_start3A_229 = arith.constant 0 : i32
    %dma_start3A_230 = tpu.memref_slice %arg6[%dma_start3A_226, %dma_start3A_228, %dma_start3A_229] : memref<4x832x32xf32, #tpu.memory_space<vmem>> -> memref<1x832x32xf32, #tpu.memory_space<vmem>>
    %dma_start3A_231 = tpu.memref_squeeze %dma_start3A_230 : memref<1x832x32xf32, #tpu.memory_space<vmem>> -> memref<832x32xf32, #tpu.memory_space<vmem>>
    %dma_start3A_232 = arith.constant 4992 : i32
    %dma_start3A_233 = tpu.memref_slice %arg5[%dma_start3A_232] : memref<13312xi32, #tpu.memory_space<vmem>> -> memref<832xi32, #tpu.memory_space<vmem>>
    %dma_start3A_234 = arith.constant 0 : i32
    %dma_start3A_235 = arith.constant 0 : i32
    %dma_start3A_236 = tpu.memref_slice %arg3[%dma_start3A_234, %dma_start3A_235] : memref<1000000x32xf32, #tpu.memory_space<hbm>> -> memref<1000000x32xf32, #tpu.memory_space<hbm>>
    %dma_start3A_237 = tpu.memref_slice %arg7[%dma_start3A_227] : memref<4x!tpu.dma_semaphore, #tpu.memory_space<semaphore_mem>> -> memref<1x!tpu.dma_semaphore, #tpu.memory_space<semaphore_mem>>
    %dma_start3A_238 = tpu.memref_squeeze %dma_start3A_237 : memref<1x!tpu.dma_semaphore, #tpu.memory_space<semaphore_mem>> -> memref<!tpu.dma_semaphore, #tpu.memory_space<semaphore_mem>>
    tpu.enqueue_indirect_dma source(%dma_start3A_236 : memref<1000000x32xf32, #tpu.memory_space<hbm>>) target(%dma_start3A_231 : memref<832x32xf32, #tpu.memory_space<vmem>>) offsets(%dma_start3A_233 : memref<832xi32, #tpu.memory_space<vmem>>) semaphore(%dma_start3A_238 : memref<!tpu.dma_semaphore, #tpu.memory_space<semaphore_mem>>)
    %dma_wait3A_239 = arith.constant 3 : i32
    %dma_wait3A_240 = arith.constant 3 : i32
    %dma_wait3A_241 = arith.constant 0 : i32
    %dma_wait3A_242 = arith.constant 0 : i32
    %dma_wait3A_243 = tpu.memref_slice %arg6[%dma_wait3A_239, %dma_wait3A_241, %dma_wait3A_242] : memref<4x832x32xf32, #tpu.memory_space<vmem>> -> memref<1x832x32xf32, #tpu.memory_space<vmem>>
    %dma_wait3A_244 = tpu.memref_squeeze %dma_wait3A_243 : memref<1x832x32xf32, #tpu.memory_space<vmem>> -> memref<832x32xf32, #tpu.memory_space<vmem>>
    %dma_wait3A_245 = arith.constant 2496 : i32
    %dma_wait3A_246 = tpu.memref_slice %arg5[%dma_wait3A_245] : memref<13312xi32, #tpu.memory_space<vmem>> -> memref<832xi32, #tpu.memory_space<vmem>>
    %dma_wait3A_247 = arith.constant 0 : i32
    %dma_wait3A_248 = arith.constant 0 : i32
    %dma_wait3A_249 = tpu.memref_slice %arg3[%dma_wait3A_247, %dma_wait3A_248] : memref<1000000x32xf32, #tpu.memory_space<hbm>> -> memref<1000000x32xf32, #tpu.memory_space<hbm>>
    %dma_wait3A_250 = tpu.memref_slice %arg7[%dma_wait3A_240] : memref<4x!tpu.dma_semaphore, #tpu.memory_space<semaphore_mem>> -> memref<1x!tpu.dma_semaphore, #tpu.memory_space<semaphore_mem>>
    %dma_wait3A_251 = tpu.memref_squeeze %dma_wait3A_250 : memref<1x!tpu.dma_semaphore, #tpu.memory_space<semaphore_mem>> -> memref<!tpu.dma_semaphore, #tpu.memory_space<semaphore_mem>>
    tpu.wait_indirect_dma semaphore(%dma_wait3A_251 : memref<!tpu.dma_semaphore, #tpu.memory_space<semaphore_mem>>) src(%dma_wait3A_249 : memref<1000000x32xf32, #tpu.memory_space<hbm>>) dst(%dma_wait3A_244 : memref<832x32xf32, #tpu.memory_space<vmem>>)
    %add3A_252 = arith.constant 2496 : i32
    %add3A_253 = arith.addi %mul3A_2, %add3A_252 : i32
    %dma_start3A_254 = arith.constant 3 : i32
    %dma_start3A_255 = arith.constant 3 : i32
    %dma_start3A_256 = arith.constant 0 : i32
    %dma_start3A_257 = arith.constant 0 : i32
    %dma_start3A_258 = tpu.memref_slice %arg6[%dma_start3A_254, %dma_start3A_256, %dma_start3A_257] : memref<4x832x32xf32, #tpu.memory_space<vmem>> -> memref<1x832x32xf32, #tpu.memory_space<vmem>>
    %dma_start3A_259 = tpu.memref_squeeze %dma_start3A_258 : memref<1x832x32xf32, #tpu.memory_space<vmem>> -> memref<832x32xf32, #tpu.memory_space<vmem>>
    %dma_start3A_260 = arith.constant 0 : i32
    %dma_start3A_261 = tpu.memref_slice %arg4[%add3A_253, %dma_start3A_260] : memref<425984x32xf32, #tpu.memory_space<hbm>> -> memref<832x32xf32, #tpu.memory_space<hbm>>
    %dma_start3A_262 = tpu.memref_slice %arg8[%dma_start3A_255] : memref<4x!tpu.dma_semaphore, #tpu.memory_space<semaphore_mem>> -> memref<1x!tpu.dma_semaphore, #tpu.memory_space<semaphore_mem>>
    %dma_start3A_263 = tpu.memref_squeeze %dma_start3A_262 : memref<1x!tpu.dma_semaphore, #tpu.memory_space<semaphore_mem>> -> memref<!tpu.dma_semaphore, #tpu.memory_space<semaphore_mem>>
    %dma_start3A_264 = arith.constant 0 : i32
    %dma_start3A_265 = tpu.memref_slice %arg4[%add3A_253, %dma_start3A_264] : memref<425984x32xf32, #tpu.memory_space<hbm>> -> memref<832x32xf32, #tpu.memory_space<hbm>>
    %dma_start3A_266 = arith.constant 0 : i32
    %dma_start3A_267 = arith.constant 0 : i32
    %dma_start3A_268 = tpu.memref_slice %arg6[%dma_start3A_254, %dma_start3A_266, %dma_start3A_267] : memref<4x832x32xf32, #tpu.memory_space<vmem>> -> memref<1x832x32xf32, #tpu.memory_space<vmem>>
    %dma_start3A_269 = tpu.memref_squeeze %dma_start3A_268 : memref<1x832x32xf32, #tpu.memory_space<vmem>> -> memref<832x32xf32, #tpu.memory_space<vmem>>
    tpu.enqueue_dma source(%dma_start3A_269 : memref<832x32xf32, #tpu.memory_space<vmem>>) target(%dma_start3A_265 : memref<832x32xf32, #tpu.memory_space<hbm>>) target_semaphore(%dma_start3A_263 : memref<!tpu.dma_semaphore, #tpu.memory_space<semaphore_mem>>)
    %add3A_270 = arith.constant 2496 : i32
    %add3A_271 = arith.addi %mul3A_2, %add3A_270 : i32
    %dma_wait3A_272 = arith.constant 3 : i32
    %dma_wait3A_273 = arith.constant 3 : i32
    %dma_wait3A_274 = arith.constant 0 : i32
    %dma_wait3A_275 = arith.constant 0 : i32
    %dma_wait3A_276 = tpu.memref_slice %arg6[%dma_wait3A_272, %dma_wait3A_274, %dma_wait3A_275] : memref<4x832x32xf32, #tpu.memory_space<vmem>> -> memref<1x832x32xf32, #tpu.memory_space<vmem>>
    %dma_wait3A_277 = tpu.memref_squeeze %dma_wait3A_276 : memref<1x832x32xf32, #tpu.memory_space<vmem>> -> memref<832x32xf32, #tpu.memory_space<vmem>>
    %dma_wait3A_278 = arith.constant 0 : i32
    %dma_wait3A_279 = tpu.memref_slice %arg4[%add3A_271, %dma_wait3A_278] : memref<425984x32xf32, #tpu.memory_space<hbm>> -> memref<832x32xf32, #tpu.memory_space<hbm>>
    %dma_wait3A_280 = tpu.memref_slice %arg8[%dma_wait3A_273] : memref<4x!tpu.dma_semaphore, #tpu.memory_space<semaphore_mem>> -> memref<1x!tpu.dma_semaphore, #tpu.memory_space<semaphore_mem>>
    %dma_wait3A_281 = tpu.memref_squeeze %dma_wait3A_280 : memref<1x!tpu.dma_semaphore, #tpu.memory_space<semaphore_mem>> -> memref<!tpu.dma_semaphore, #tpu.memory_space<semaphore_mem>>
    %dma_wait3A_282 = arith.constant 0 : i32
    %dma_wait3A_283 = tpu.memref_slice %arg4[%add3A_271, %dma_wait3A_282] : memref<425984x32xf32, #tpu.memory_space<hbm>> -> memref<832x32xf32, #tpu.memory_space<hbm>>
    %dma_wait3A_284 = arith.constant 0 : i32
    %dma_wait3A_285 = arith.constant 0 : i32
    %dma_wait3A_286 = tpu.memref_slice %arg6[%dma_wait3A_272, %dma_wait3A_284, %dma_wait3A_285] : memref<4x832x32xf32, #tpu.memory_space<vmem>> -> memref<1x832x32xf32, #tpu.memory_space<vmem>>
    %dma_wait3A_287 = tpu.memref_squeeze %dma_wait3A_286 : memref<1x832x32xf32, #tpu.memory_space<vmem>> -> memref<832x32xf32, #tpu.memory_space<vmem>>
    tpu.wait_dma2 semaphore(%dma_wait3A_281 : memref<!tpu.dma_semaphore, #tpu.memory_space<semaphore_mem>>) src(%dma_wait3A_287 : memref<832x32xf32, #tpu.memory_space<vmem>>) dst(%dma_wait3A_283 : memref<832x32xf32, #tpu.memory_space<hbm>>)
    %dma_start3A_288 = arith.constant 3 : i32
    %dma_start3A_289 = arith.constant 3 : i32
    %dma_start3A_290 = arith.constant 0 : i32
    %dma_start3A_291 = arith.constant 0 : i32
    %dma_start3A_292 = tpu.memref_slice %arg6[%dma_start3A_288, %dma_start3A_290, %dma_start3A_291] : memref<4x832x32xf32, #tpu.memory_space<vmem>> -> memref<1x832x32xf32, #tpu.memory_space<vmem>>
    %dma_start3A_293 = tpu.memref_squeeze %dma_start3A_292 : memref<1x832x32xf32, #tpu.memory_space<vmem>> -> memref<832x32xf32, #tpu.memory_space<vmem>>
    %dma_start3A_294 = arith.constant 5824 : i32
    %dma_start3A_295 = tpu.memref_slice %arg5[%dma_start3A_294] : memref<13312xi32, #tpu.memory_space<vmem>> -> memref<832xi32, #tpu.memory_space<vmem>>
    %dma_start3A_296 = arith.constant 0 : i32
    %dma_start3A_297 = arith.constant 0 : i32
    %dma_start3A_298 = tpu.memref_slice %arg3[%dma_start3A_296, %dma_start3A_297] : memref<1000000x32xf32, #tpu.memory_space<hbm>> -> memref<1000000x32xf32, #tpu.memory_space<hbm>>
    %dma_start3A_299 = tpu.memref_slice %arg7[%dma_start3A_289] : memref<4x!tpu.dma_semaphore, #tpu.memory_space<semaphore_mem>> -> memref<1x!tpu.dma_semaphore, #tpu.memory_space<semaphore_mem>>
    %dma_start3A_300 = tpu.memref_squeeze %dma_start3A_299 : memref<1x!tpu.dma_semaphore, #tpu.memory_space<semaphore_mem>> -> memref<!tpu.dma_semaphore, #tpu.memory_space<semaphore_mem>>
    tpu.enqueue_indirect_dma source(%dma_start3A_298 : memref<1000000x32xf32, #tpu.memory_space<hbm>>) target(%dma_start3A_293 : memref<832x32xf32, #tpu.memory_space<vmem>>) offsets(%dma_start3A_295 : memref<832xi32, #tpu.memory_space<vmem>>) semaphore(%dma_start3A_300 : memref<!tpu.dma_semaphore, #tpu.memory_space<semaphore_mem>>)
    %dma_wait3A_301 = arith.constant 0 : i32
    %dma_wait3A_302 = arith.constant 0 : i32
    %dma_wait3A_303 = arith.constant 0 : i32
    %dma_wait3A_304 = arith.constant 0 : i32
    %dma_wait3A_305 = tpu.memref_slice %arg6[%dma_wait3A_301, %dma_wait3A_303, %dma_wait3A_304] : memref<4x832x32xf32, #tpu.memory_space<vmem>> -> memref<1x832x32xf32, #tpu.memory_space<vmem>>
    %dma_wait3A_306 = tpu.memref_squeeze %dma_wait3A_305 : memref<1x832x32xf32, #tpu.memory_space<vmem>> -> memref<832x32xf32, #tpu.memory_space<vmem>>
    %dma_wait3A_307 = arith.constant 3328 : i32
    %dma_wait3A_308 = tpu.memref_slice %arg5[%dma_wait3A_307] : memref<13312xi32, #tpu.memory_space<vmem>> -> memref<832xi32, #tpu.memory_space<vmem>>
    %dma_wait3A_309 = arith.constant 0 : i32
    %dma_wait3A_310 = arith.constant 0 : i32
    %dma_wait3A_311 = tpu.memref_slice %arg3[%dma_wait3A_309, %dma_wait3A_310] : memref<1000000x32xf32, #tpu.memory_space<hbm>> -> memref<1000000x32xf32, #tpu.memory_space<hbm>>
    %dma_wait3A_312 = tpu.memref_slice %arg7[%dma_wait3A_302] : memref<4x!tpu.dma_semaphore, #tpu.memory_space<semaphore_mem>> -> memref<1x!tpu.dma_semaphore, #tpu.memory_space<semaphore_mem>>
    %dma_wait3A_313 = tpu.memref_squeeze %dma_wait3A_312 : memref<1x!tpu.dma_semaphore, #tpu.memory_space<semaphore_mem>> -> memref<!tpu.dma_semaphore, #tpu.memory_space<semaphore_mem>>
    tpu.wait_indirect_dma semaphore(%dma_wait3A_313 : memref<!tpu.dma_semaphore, #tpu.memory_space<semaphore_mem>>) src(%dma_wait3A_311 : memref<1000000x32xf32, #tpu.memory_space<hbm>>) dst(%dma_wait3A_306 : memref<832x32xf32, #tpu.memory_space<vmem>>)
    %add3A_314 = arith.constant 3328 : i32
    %add3A_315 = arith.addi %mul3A_2, %add3A_314 : i32
    %dma_start3A_316 = arith.constant 0 : i32
    %dma_start3A_317 = arith.constant 0 : i32
    %dma_start3A_318 = arith.constant 0 : i32
    %dma_start3A_319 = arith.constant 0 : i32
    %dma_start3A_320 = tpu.memref_slice %arg6[%dma_start3A_316, %dma_start3A_318, %dma_start3A_319] : memref<4x832x32xf32, #tpu.memory_space<vmem>> -> memref<1x832x32xf32, #tpu.memory_space<vmem>>
    %dma_start3A_321 = tpu.memref_squeeze %dma_start3A_320 : memref<1x832x32xf32, #tpu.memory_space<vmem>> -> memref<832x32xf32, #tpu.memory_space<vmem>>
    %dma_start3A_322 = arith.constant 0 : i32
    %dma_start3A_323 = tpu.memref_slice %arg4[%add3A_315, %dma_start3A_322] : memref<425984x32xf32, #tpu.memory_space<hbm>> -> memref<832x32xf32, #tpu.memory_space<hbm>>
    %dma_start3A_324 = tpu.memref_slice %arg8[%dma_start3A_317] : memref<4x!tpu.dma_semaphore, #tpu.memory_space<semaphore_mem>> -> memref<1x!tpu.dma_semaphore, #tpu.memory_space<semaphore_mem>>
    %dma_start3A_325 = tpu.memref_squeeze %dma_start3A_324 : memref<1x!tpu.dma_semaphore, #tpu.memory_space<semaphore_mem>> -> memref<!tpu.dma_semaphore, #tpu.memory_space<semaphore_mem>>
    %dma_start3A_326 = arith.constant 0 : i32
    %dma_start3A_327 = tpu.memref_slice %arg4[%add3A_315, %dma_start3A_326] : memref<425984x32xf32, #tpu.memory_space<hbm>> -> memref<832x32xf32, #tpu.memory_space<hbm>>
    %dma_start3A_328 = arith.constant 0 : i32
    %dma_start3A_329 = arith.constant 0 : i32
    %dma_start3A_330 = tpu.memref_slice %arg6[%dma_start3A_316, %dma_start3A_328, %dma_start3A_329] : memref<4x832x32xf32, #tpu.memory_space<vmem>> -> memref<1x832x32xf32, #tpu.memory_space<vmem>>
    %dma_start3A_331 = tpu.memref_squeeze %dma_start3A_330 : memref<1x832x32xf32, #tpu.memory_space<vmem>> -> memref<832x32xf32, #tpu.memory_space<vmem>>
    tpu.enqueue_dma source(%dma_start3A_331 : memref<832x32xf32, #tpu.memory_space<vmem>>) target(%dma_start3A_327 : memref<832x32xf32, #tpu.memory_space<hbm>>) target_semaphore(%dma_start3A_325 : memref<!tpu.dma_semaphore, #tpu.memory_space<semaphore_mem>>)
    %add3A_332 = arith.constant 3328 : i32
    %add3A_333 = arith.addi %mul3A_2, %add3A_332 : i32
    %dma_wait3A_334 = arith.constant 0 : i32
    %dma_wait3A_335 = arith.constant 0 : i32
    %dma_wait3A_336 = arith.constant 0 : i32
    %dma_wait3A_337 = arith.constant 0 : i32
    %dma_wait3A_338 = tpu.memref_slice %arg6[%dma_wait3A_334, %dma_wait3A_336, %dma_wait3A_337] : memref<4x832x32xf32, #tpu.memory_space<vmem>> -> memref<1x832x32xf32, #tpu.memory_space<vmem>>
    %dma_wait3A_339 = tpu.memref_squeeze %dma_wait3A_338 : memref<1x832x32xf32, #tpu.memory_space<vmem>> -> memref<832x32xf32, #tpu.memory_space<vmem>>
    %dma_wait3A_340 = arith.constant 0 : i32
    %dma_wait3A_341 = tpu.memref_slice %arg4[%add3A_333, %dma_wait3A_340] : memref<425984x32xf32, #tpu.memory_space<hbm>> -> memref<832x32xf32, #tpu.memory_space<hbm>>
    %dma_wait3A_342 = tpu.memref_slice %arg8[%dma_wait3A_335] : memref<4x!tpu.dma_semaphore, #tpu.memory_space<semaphore_mem>> -> memref<1x!tpu.dma_semaphore, #tpu.memory_space<semaphore_mem>>
    %dma_wait3A_343 = tpu.memref_squeeze %dma_wait3A_342 : memref<1x!tpu.dma_semaphore, #tpu.memory_space<semaphore_mem>> -> memref<!tpu.dma_semaphore, #tpu.memory_space<semaphore_mem>>
    %dma_wait3A_344 = arith.constant 0 : i32
    %dma_wait3A_345 = tpu.memref_slice %arg4[%add3A_333, %dma_wait3A_344] : memref<425984x32xf32, #tpu.memory_space<hbm>> -> memref<832x32xf32, #tpu.memory_space<hbm>>
    %dma_wait3A_346 = arith.constant 0 : i32
    %dma_wait3A_347 = arith.constant 0 : i32
    %dma_wait3A_348 = tpu.memref_slice %arg6[%dma_wait3A_334, %dma_wait3A_346, %dma_wait3A_347] : memref<4x832x32xf32, #tpu.memory_space<vmem>> -> memref<1x832x32xf32, #tpu.memory_space<vmem>>
    %dma_wait3A_349 = tpu.memref_squeeze %dma_wait3A_348 : memref<1x832x32xf32, #tpu.memory_space<vmem>> -> memref<832x32xf32, #tpu.memory_space<vmem>>
    tpu.wait_dma2 semaphore(%dma_wait3A_343 : memref<!tpu.dma_semaphore, #tpu.memory_space<semaphore_mem>>) src(%dma_wait3A_349 : memref<832x32xf32, #tpu.memory_space<vmem>>) dst(%dma_wait3A_345 : memref<832x32xf32, #tpu.memory_space<hbm>>)
    %dma_start3A_350 = arith.constant 0 : i32
    %dma_start3A_351 = arith.constant 0 : i32
    %dma_start3A_352 = arith.constant 0 : i32
    %dma_start3A_353 = arith.constant 0 : i32
    %dma_start3A_354 = tpu.memref_slice %arg6[%dma_start3A_350, %dma_start3A_352, %dma_start3A_353] : memref<4x832x32xf32, #tpu.memory_space<vmem>> -> memref<1x832x32xf32, #tpu.memory_space<vmem>>
    %dma_start3A_355 = tpu.memref_squeeze %dma_start3A_354 : memref<1x832x32xf32, #tpu.memory_space<vmem>> -> memref<832x32xf32, #tpu.memory_space<vmem>>
    %dma_start3A_356 = arith.constant 6656 : i32
    %dma_start3A_357 = tpu.memref_slice %arg5[%dma_start3A_356] : memref<13312xi32, #tpu.memory_space<vmem>> -> memref<832xi32, #tpu.memory_space<vmem>>
    %dma_start3A_358 = arith.constant 0 : i32
    %dma_start3A_359 = arith.constant 0 : i32
    %dma_start3A_360 = tpu.memref_slice %arg3[%dma_start3A_358, %dma_start3A_359] : memref<1000000x32xf32, #tpu.memory_space<hbm>> -> memref<1000000x32xf32, #tpu.memory_space<hbm>>
    %dma_start3A_361 = tpu.memref_slice %arg7[%dma_start3A_351] : memref<4x!tpu.dma_semaphore, #tpu.memory_space<semaphore_mem>> -> memref<1x!tpu.dma_semaphore, #tpu.memory_space<semaphore_mem>>
    %dma_start3A_362 = tpu.memref_squeeze %dma_start3A_361 : memref<1x!tpu.dma_semaphore, #tpu.memory_space<semaphore_mem>> -> memref<!tpu.dma_semaphore, #tpu.memory_space<semaphore_mem>>
    tpu.enqueue_indirect_dma source(%dma_start3A_360 : memref<1000000x32xf32, #tpu.memory_space<hbm>>) target(%dma_start3A_355 : memref<832x32xf32, #tpu.memory_space<vmem>>) offsets(%dma_start3A_357 : memref<832xi32, #tpu.memory_space<vmem>>) semaphore(%dma_start3A_362 : memref<!tpu.dma_semaphore, #tpu.memory_space<semaphore_mem>>)
    %dma_wait3A_363 = arith.constant 1 : i32
    %dma_wait3A_364 = arith.constant 1 : i32
    %dma_wait3A_365 = arith.constant 0 : i32
    %dma_wait3A_366 = arith.constant 0 : i32
    %dma_wait3A_367 = tpu.memref_slice %arg6[%dma_wait3A_363, %dma_wait3A_365, %dma_wait3A_366] : memref<4x832x32xf32, #tpu.memory_space<vmem>> -> memref<1x832x32xf32, #tpu.memory_space<vmem>>
    %dma_wait3A_368 = tpu.memref_squeeze %dma_wait3A_367 : memref<1x832x32xf32, #tpu.memory_space<vmem>> -> memref<832x32xf32, #tpu.memory_space<vmem>>
    %dma_wait3A_369 = arith.constant 4160 : i32
    %dma_wait3A_370 = tpu.memref_slice %arg5[%dma_wait3A_369] : memref<13312xi32, #tpu.memory_space<vmem>> -> memref<832xi32, #tpu.memory_space<vmem>>
    %dma_wait3A_371 = arith.constant 0 : i32
    %dma_wait3A_372 = arith.constant 0 : i32
    %dma_wait3A_373 = tpu.memref_slice %arg3[%dma_wait3A_371, %dma_wait3A_372] : memref<1000000x32xf32, #tpu.memory_space<hbm>> -> memref<1000000x32xf32, #tpu.memory_space<hbm>>
    %dma_wait3A_374 = tpu.memref_slice %arg7[%dma_wait3A_364] : memref<4x!tpu.dma_semaphore, #tpu.memory_space<semaphore_mem>> -> memref<1x!tpu.dma_semaphore, #tpu.memory_space<semaphore_mem>>
    %dma_wait3A_375 = tpu.memref_squeeze %dma_wait3A_374 : memref<1x!tpu.dma_semaphore, #tpu.memory_space<semaphore_mem>> -> memref<!tpu.dma_semaphore, #tpu.memory_space<semaphore_mem>>
    tpu.wait_indirect_dma semaphore(%dma_wait3A_375 : memref<!tpu.dma_semaphore, #tpu.memory_space<semaphore_mem>>) src(%dma_wait3A_373 : memref<1000000x32xf32, #tpu.memory_space<hbm>>) dst(%dma_wait3A_368 : memref<832x32xf32, #tpu.memory_space<vmem>>)
    %add3A_376 = arith.constant 4160 : i32
    %add3A_377 = arith.addi %mul3A_2, %add3A_376 : i32
    %dma_start3A_378 = arith.constant 1 : i32
    %dma_start3A_379 = arith.constant 1 : i32
    %dma_start3A_380 = arith.constant 0 : i32
    %dma_start3A_381 = arith.constant 0 : i32
    %dma_start3A_382 = tpu.memref_slice %arg6[%dma_start3A_378, %dma_start3A_380, %dma_start3A_381] : memref<4x832x32xf32, #tpu.memory_space<vmem>> -> memref<1x832x32xf32, #tpu.memory_space<vmem>>
    %dma_start3A_383 = tpu.memref_squeeze %dma_start3A_382 : memref<1x832x32xf32, #tpu.memory_space<vmem>> -> memref<832x32xf32, #tpu.memory_space<vmem>>
    %dma_start3A_384 = arith.constant 0 : i32
    %dma_start3A_385 = tpu.memref_slice %arg4[%add3A_377, %dma_start3A_384] : memref<425984x32xf32, #tpu.memory_space<hbm>> -> memref<832x32xf32, #tpu.memory_space<hbm>>
    %dma_start3A_386 = tpu.memref_slice %arg8[%dma_start3A_379] : memref<4x!tpu.dma_semaphore, #tpu.memory_space<semaphore_mem>> -> memref<1x!tpu.dma_semaphore, #tpu.memory_space<semaphore_mem>>
    %dma_start3A_387 = tpu.memref_squeeze %dma_start3A_386 : memref<1x!tpu.dma_semaphore, #tpu.memory_space<semaphore_mem>> -> memref<!tpu.dma_semaphore, #tpu.memory_space<semaphore_mem>>
    %dma_start3A_388 = arith.constant 0 : i32
    %dma_start3A_389 = tpu.memref_slice %arg4[%add3A_377, %dma_start3A_388] : memref<425984x32xf32, #tpu.memory_space<hbm>> -> memref<832x32xf32, #tpu.memory_space<hbm>>
    %dma_start3A_390 = arith.constant 0 : i32
    %dma_start3A_391 = arith.constant 0 : i32
    %dma_start3A_392 = tpu.memref_slice %arg6[%dma_start3A_378, %dma_start3A_390, %dma_start3A_391] : memref<4x832x32xf32, #tpu.memory_space<vmem>> -> memref<1x832x32xf32, #tpu.memory_space<vmem>>
    %dma_start3A_393 = tpu.memref_squeeze %dma_start3A_392 : memref<1x832x32xf32, #tpu.memory_space<vmem>> -> memref<832x32xf32, #tpu.memory_space<vmem>>
    tpu.enqueue_dma source(%dma_start3A_393 : memref<832x32xf32, #tpu.memory_space<vmem>>) target(%dma_start3A_389 : memref<832x32xf32, #tpu.memory_space<hbm>>) target_semaphore(%dma_start3A_387 : memref<!tpu.dma_semaphore, #tpu.memory_space<semaphore_mem>>)
    %add3A_394 = arith.constant 4160 : i32
    %add3A_395 = arith.addi %mul3A_2, %add3A_394 : i32
    %dma_wait3A_396 = arith.constant 1 : i32
    %dma_wait3A_397 = arith.constant 1 : i32
    %dma_wait3A_398 = arith.constant 0 : i32
    %dma_wait3A_399 = arith.constant 0 : i32
    %dma_wait3A_400 = tpu.memref_slice %arg6[%dma_wait3A_396, %dma_wait3A_398, %dma_wait3A_399] : memref<4x832x32xf32, #tpu.memory_space<vmem>> -> memref<1x832x32xf32, #tpu.memory_space<vmem>>
    %dma_wait3A_401 = tpu.memref_squeeze %dma_wait3A_400 : memref<1x832x32xf32, #tpu.memory_space<vmem>> -> memref<832x32xf32, #tpu.memory_space<vmem>>
    %dma_wait3A_402 = arith.constant 0 : i32
    %dma_wait3A_403 = tpu.memref_slice %arg4[%add3A_395, %dma_wait3A_402] : memref<425984x32xf32, #tpu.memory_space<hbm>> -> memref<832x32xf32, #tpu.memory_space<hbm>>
    %dma_wait3A_404 = tpu.memref_slice %arg8[%dma_wait3A_397] : memref<4x!tpu.dma_semaphore, #tpu.memory_space<semaphore_mem>> -> memref<1x!tpu.dma_semaphore, #tpu.memory_space<semaphore_mem>>
    %dma_wait3A_405 = tpu.memref_squeeze %dma_wait3A_404 : memref<1x!tpu.dma_semaphore, #tpu.memory_space<semaphore_mem>> -> memref<!tpu.dma_semaphore, #tpu.memory_space<semaphore_mem>>
    %dma_wait3A_406 = arith.constant 0 : i32
    %dma_wait3A_407 = tpu.memref_slice %arg4[%add3A_395, %dma_wait3A_406] : memref<425984x32xf32, #tpu.memory_space<hbm>> -> memref<832x32xf32, #tpu.memory_space<hbm>>
    %dma_wait3A_408 = arith.constant 0 : i32
    %dma_wait3A_409 = arith.constant 0 : i32
    %dma_wait3A_410 = tpu.memref_slice %arg6[%dma_wait3A_396, %dma_wait3A_408, %dma_wait3A_409] : memref<4x832x32xf32, #tpu.memory_space<vmem>> -> memref<1x832x32xf32, #tpu.memory_space<vmem>>
    %dma_wait3A_411 = tpu.memref_squeeze %dma_wait3A_410 : memref<1x832x32xf32, #tpu.memory_space<vmem>> -> memref<832x32xf32, #tpu.memory_space<vmem>>
    tpu.wait_dma2 semaphore(%dma_wait3A_405 : memref<!tpu.dma_semaphore, #tpu.memory_space<semaphore_mem>>) src(%dma_wait3A_411 : memref<832x32xf32, #tpu.memory_space<vmem>>) dst(%dma_wait3A_407 : memref<832x32xf32, #tpu.memory_space<hbm>>)
    %dma_start3A_412 = arith.constant 1 : i32
    %dma_start3A_413 = arith.constant 1 : i32
    %dma_start3A_414 = arith.constant 0 : i32
    %dma_start3A_415 = arith.constant 0 : i32
    %dma_start3A_416 = tpu.memref_slice %arg6[%dma_start3A_412, %dma_start3A_414, %dma_start3A_415] : memref<4x832x32xf32, #tpu.memory_space<vmem>> -> memref<1x832x32xf32, #tpu.memory_space<vmem>>
    %dma_start3A_417 = tpu.memref_squeeze %dma_start3A_416 : memref<1x832x32xf32, #tpu.memory_space<vmem>> -> memref<832x32xf32, #tpu.memory_space<vmem>>
    %dma_start3A_418 = arith.constant 7488 : i32
    %dma_start3A_419 = tpu.memref_slice %arg5[%dma_start3A_418] : memref<13312xi32, #tpu.memory_space<vmem>> -> memref<832xi32, #tpu.memory_space<vmem>>
    %dma_start3A_420 = arith.constant 0 : i32
    %dma_start3A_421 = arith.constant 0 : i32
    %dma_start3A_422 = tpu.memref_slice %arg3[%dma_start3A_420, %dma_start3A_421] : memref<1000000x32xf32, #tpu.memory_space<hbm>> -> memref<1000000x32xf32, #tpu.memory_space<hbm>>
    %dma_start3A_423 = tpu.memref_slice %arg7[%dma_start3A_413] : memref<4x!tpu.dma_semaphore, #tpu.memory_space<semaphore_mem>> -> memref<1x!tpu.dma_semaphore, #tpu.memory_space<semaphore_mem>>
    %dma_start3A_424 = tpu.memref_squeeze %dma_start3A_423 : memref<1x!tpu.dma_semaphore, #tpu.memory_space<semaphore_mem>> -> memref<!tpu.dma_semaphore, #tpu.memory_space<semaphore_mem>>
    tpu.enqueue_indirect_dma source(%dma_start3A_422 : memref<1000000x32xf32, #tpu.memory_space<hbm>>) target(%dma_start3A_417 : memref<832x32xf32, #tpu.memory_space<vmem>>) offsets(%dma_start3A_419 : memref<832xi32, #tpu.memory_space<vmem>>) semaphore(%dma_start3A_424 : memref<!tpu.dma_semaphore, #tpu.memory_space<semaphore_mem>>)
    %dma_wait3A_425 = arith.constant 2 : i32
    %dma_wait3A_426 = arith.constant 2 : i32
    %dma_wait3A_427 = arith.constant 0 : i32
    %dma_wait3A_428 = arith.constant 0 : i32
    %dma_wait3A_429 = tpu.memref_slice %arg6[%dma_wait3A_425, %dma_wait3A_427, %dma_wait3A_428] : memref<4x832x32xf32, #tpu.memory_space<vmem>> -> memref<1x832x32xf32, #tpu.memory_space<vmem>>
    %dma_wait3A_430 = tpu.memref_squeeze %dma_wait3A_429 : memref<1x832x32xf32, #tpu.memory_space<vmem>> -> memref<832x32xf32, #tpu.memory_space<vmem>>
    %dma_wait3A_431 = arith.constant 4992 : i32
    %dma_wait3A_432 = tpu.memref_slice %arg5[%dma_wait3A_431] : memref<13312xi32, #tpu.memory_space<vmem>> -> memref<832xi32, #tpu.memory_space<vmem>>
    %dma_wait3A_433 = arith.constant 0 : i32
    %dma_wait3A_434 = arith.constant 0 : i32
    %dma_wait3A_435 = tpu.memref_slice %arg3[%dma_wait3A_433, %dma_wait3A_434] : memref<1000000x32xf32, #tpu.memory_space<hbm>> -> memref<1000000x32xf32, #tpu.memory_space<hbm>>
    %dma_wait3A_436 = tpu.memref_slice %arg7[%dma_wait3A_426] : memref<4x!tpu.dma_semaphore, #tpu.memory_space<semaphore_mem>> -> memref<1x!tpu.dma_semaphore, #tpu.memory_space<semaphore_mem>>
    %dma_wait3A_437 = tpu.memref_squeeze %dma_wait3A_436 : memref<1x!tpu.dma_semaphore, #tpu.memory_space<semaphore_mem>> -> memref<!tpu.dma_semaphore, #tpu.memory_space<semaphore_mem>>
    tpu.wait_indirect_dma semaphore(%dma_wait3A_437 : memref<!tpu.dma_semaphore, #tpu.memory_space<semaphore_mem>>) src(%dma_wait3A_435 : memref<1000000x32xf32, #tpu.memory_space<hbm>>) dst(%dma_wait3A_430 : memref<832x32xf32, #tpu.memory_space<vmem>>)
    %add3A_438 = arith.constant 4992 : i32
    %add3A_439 = arith.addi %mul3A_2, %add3A_438 : i32
    %dma_start3A_440 = arith.constant 2 : i32
    %dma_start3A_441 = arith.constant 2 : i32
    %dma_start3A_442 = arith.constant 0 : i32
    %dma_start3A_443 = arith.constant 0 : i32
    %dma_start3A_444 = tpu.memref_slice %arg6[%dma_start3A_440, %dma_start3A_442, %dma_start3A_443] : memref<4x832x32xf32, #tpu.memory_space<vmem>> -> memref<1x832x32xf32, #tpu.memory_space<vmem>>
    %dma_start3A_445 = tpu.memref_squeeze %dma_start3A_444 : memref<1x832x32xf32, #tpu.memory_space<vmem>> -> memref<832x32xf32, #tpu.memory_space<vmem>>
    %dma_start3A_446 = arith.constant 0 : i32
    %dma_start3A_447 = tpu.memref_slice %arg4[%add3A_439, %dma_start3A_446] : memref<425984x32xf32, #tpu.memory_space<hbm>> -> memref<832x32xf32, #tpu.memory_space<hbm>>
    %dma_start3A_448 = tpu.memref_slice %arg8[%dma_start3A_441] : memref<4x!tpu.dma_semaphore, #tpu.memory_space<semaphore_mem>> -> memref<1x!tpu.dma_semaphore, #tpu.memory_space<semaphore_mem>>
    %dma_start3A_449 = tpu.memref_squeeze %dma_start3A_448 : memref<1x!tpu.dma_semaphore, #tpu.memory_space<semaphore_mem>> -> memref<!tpu.dma_semaphore, #tpu.memory_space<semaphore_mem>>
    %dma_start3A_450 = arith.constant 0 : i32
    %dma_start3A_451 = tpu.memref_slice %arg4[%add3A_439, %dma_start3A_450] : memref<425984x32xf32, #tpu.memory_space<hbm>> -> memref<832x32xf32, #tpu.memory_space<hbm>>
    %dma_start3A_452 = arith.constant 0 : i32
    %dma_start3A_453 = arith.constant 0 : i32
    %dma_start3A_454 = tpu.memref_slice %arg6[%dma_start3A_440, %dma_start3A_452, %dma_start3A_453] : memref<4x832x32xf32, #tpu.memory_space<vmem>> -> memref<1x832x32xf32, #tpu.memory_space<vmem>>
    %dma_start3A_455 = tpu.memref_squeeze %dma_start3A_454 : memref<1x832x32xf32, #tpu.memory_space<vmem>> -> memref<832x32xf32, #tpu.memory_space<vmem>>
    tpu.enqueue_dma source(%dma_start3A_455 : memref<832x32xf32, #tpu.memory_space<vmem>>) target(%dma_start3A_451 : memref<832x32xf32, #tpu.memory_space<hbm>>) target_semaphore(%dma_start3A_449 : memref<!tpu.dma_semaphore, #tpu.memory_space<semaphore_mem>>)
    %add3A_456 = arith.constant 4992 : i32
    %add3A_457 = arith.addi %mul3A_2, %add3A_456 : i32
    %dma_wait3A_458 = arith.constant 2 : i32
    %dma_wait3A_459 = arith.constant 2 : i32
    %dma_wait3A_460 = arith.constant 0 : i32
    %dma_wait3A_461 = arith.constant 0 : i32
    %dma_wait3A_462 = tpu.memref_slice %arg6[%dma_wait3A_458, %dma_wait3A_460, %dma_wait3A_461] : memref<4x832x32xf32, #tpu.memory_space<vmem>> -> memref<1x832x32xf32, #tpu.memory_space<vmem>>
    %dma_wait3A_463 = tpu.memref_squeeze %dma_wait3A_462 : memref<1x832x32xf32, #tpu.memory_space<vmem>> -> memref<832x32xf32, #tpu.memory_space<vmem>>
    %dma_wait3A_464 = arith.constant 0 : i32
    %dma_wait3A_465 = tpu.memref_slice %arg4[%add3A_457, %dma_wait3A_464] : memref<425984x32xf32, #tpu.memory_space<hbm>> -> memref<832x32xf32, #tpu.memory_space<hbm>>
    %dma_wait3A_466 = tpu.memref_slice %arg8[%dma_wait3A_459] : memref<4x!tpu.dma_semaphore, #tpu.memory_space<semaphore_mem>> -> memref<1x!tpu.dma_semaphore, #tpu.memory_space<semaphore_mem>>
    %dma_wait3A_467 = tpu.memref_squeeze %dma_wait3A_466 : memref<1x!tpu.dma_semaphore, #tpu.memory_space<semaphore_mem>> -> memref<!tpu.dma_semaphore, #tpu.memory_space<semaphore_mem>>
    %dma_wait3A_468 = arith.constant 0 : i32
    %dma_wait3A_469 = tpu.memref_slice %arg4[%add3A_457, %dma_wait3A_468] : memref<425984x32xf32, #tpu.memory_space<hbm>> -> memref<832x32xf32, #tpu.memory_space<hbm>>
    %dma_wait3A_470 = arith.constant 0 : i32
    %dma_wait3A_471 = arith.constant 0 : i32
    %dma_wait3A_472 = tpu.memref_slice %arg6[%dma_wait3A_458, %dma_wait3A_470, %dma_wait3A_471] : memref<4x832x32xf32, #tpu.memory_space<vmem>> -> memref<1x832x32xf32, #tpu.memory_space<vmem>>
    %dma_wait3A_473 = tpu.memref_squeeze %dma_wait3A_472 : memref<1x832x32xf32, #tpu.memory_space<vmem>> -> memref<832x32xf32, #tpu.memory_space<vmem>>
    tpu.wait_dma2 semaphore(%dma_wait3A_467 : memref<!tpu.dma_semaphore, #tpu.memory_space<semaphore_mem>>) src(%dma_wait3A_473 : memref<832x32xf32, #tpu.memory_space<vmem>>) dst(%dma_wait3A_469 : memref<832x32xf32, #tpu.memory_space<hbm>>)
    %dma_start3A_474 = arith.constant 2 : i32
    %dma_start3A_475 = arith.constant 2 : i32
    %dma_start3A_476 = arith.constant 0 : i32
    %dma_start3A_477 = arith.constant 0 : i32
    %dma_start3A_478 = tpu.memref_slice %arg6[%dma_start3A_474, %dma_start3A_476, %dma_start3A_477] : memref<4x832x32xf32, #tpu.memory_space<vmem>> -> memref<1x832x32xf32, #tpu.memory_space<vmem>>
    %dma_start3A_479 = tpu.memref_squeeze %dma_start3A_478 : memref<1x832x32xf32, #tpu.memory_space<vmem>> -> memref<832x32xf32, #tpu.memory_space<vmem>>
    %dma_start3A_480 = arith.constant 8320 : i32
    %dma_start3A_481 = tpu.memref_slice %arg5[%dma_start3A_480] : memref<13312xi32, #tpu.memory_space<vmem>> -> memref<832xi32, #tpu.memory_space<vmem>>
    %dma_start3A_482 = arith.constant 0 : i32
    %dma_start3A_483 = arith.constant 0 : i32
    %dma_start3A_484 = tpu.memref_slice %arg3[%dma_start3A_482, %dma_start3A_483] : memref<1000000x32xf32, #tpu.memory_space<hbm>> -> memref<1000000x32xf32, #tpu.memory_space<hbm>>
    %dma_start3A_485 = tpu.memref_slice %arg7[%dma_start3A_475] : memref<4x!tpu.dma_semaphore, #tpu.memory_space<semaphore_mem>> -> memref<1x!tpu.dma_semaphore, #tpu.memory_space<semaphore_mem>>
    %dma_start3A_486 = tpu.memref_squeeze %dma_start3A_485 : memref<1x!tpu.dma_semaphore, #tpu.memory_space<semaphore_mem>> -> memref<!tpu.dma_semaphore, #tpu.memory_space<semaphore_mem>>
    tpu.enqueue_indirect_dma source(%dma_start3A_484 : memref<1000000x32xf32, #tpu.memory_space<hbm>>) target(%dma_start3A_479 : memref<832x32xf32, #tpu.memory_space<vmem>>) offsets(%dma_start3A_481 : memref<832xi32, #tpu.memory_space<vmem>>) semaphore(%dma_start3A_486 : memref<!tpu.dma_semaphore, #tpu.memory_space<semaphore_mem>>)
    %dma_wait3A_487 = arith.constant 3 : i32
    %dma_wait3A_488 = arith.constant 3 : i32
    %dma_wait3A_489 = arith.constant 0 : i32
    %dma_wait3A_490 = arith.constant 0 : i32
    %dma_wait3A_491 = tpu.memref_slice %arg6[%dma_wait3A_487, %dma_wait3A_489, %dma_wait3A_490] : memref<4x832x32xf32, #tpu.memory_space<vmem>> -> memref<1x832x32xf32, #tpu.memory_space<vmem>>
    %dma_wait3A_492 = tpu.memref_squeeze %dma_wait3A_491 : memref<1x832x32xf32, #tpu.memory_space<vmem>> -> memref<832x32xf32, #tpu.memory_space<vmem>>
    %dma_wait3A_493 = arith.constant 5824 : i32
    %dma_wait3A_494 = tpu.memref_slice %arg5[%dma_wait3A_493] : memref<13312xi32, #tpu.memory_space<vmem>> -> memref<832xi32, #tpu.memory_space<vmem>>
    %dma_wait3A_495 = arith.constant 0 : i32
    %dma_wait3A_496 = arith.constant 0 : i32
    %dma_wait3A_497 = tpu.memref_slice %arg3[%dma_wait3A_495, %dma_wait3A_496] : memref<1000000x32xf32, #tpu.memory_space<hbm>> -> memref<1000000x32xf32, #tpu.memory_space<hbm>>
    %dma_wait3A_498 = tpu.memref_slice %arg7[%dma_wait3A_488] : memref<4x!tpu.dma_semaphore, #tpu.memory_space<semaphore_mem>> -> memref<1x!tpu.dma_semaphore, #tpu.memory_space<semaphore_mem>>
    %dma_wait3A_499 = tpu.memref_squeeze %dma_wait3A_498 : memref<1x!tpu.dma_semaphore, #tpu.memory_space<semaphore_mem>> -> memref<!tpu.dma_semaphore, #tpu.memory_space<semaphore_mem>>
    tpu.wait_indirect_dma semaphore(%dma_wait3A_499 : memref<!tpu.dma_semaphore, #tpu.memory_space<semaphore_mem>>) src(%dma_wait3A_497 : memref<1000000x32xf32, #tpu.memory_space<hbm>>) dst(%dma_wait3A_492 : memref<832x32xf32, #tpu.memory_space<vmem>>)
    %add3A_500 = arith.constant 5824 : i32
    %add3A_501 = arith.addi %mul3A_2, %add3A_500 : i32
    %dma_start3A_502 = arith.constant 3 : i32
    %dma_start3A_503 = arith.constant 3 : i32
    %dma_start3A_504 = arith.constant 0 : i32
    %dma_start3A_505 = arith.constant 0 : i32
    %dma_start3A_506 = tpu.memref_slice %arg6[%dma_start3A_502, %dma_start3A_504, %dma_start3A_505] : memref<4x832x32xf32, #tpu.memory_space<vmem>> -> memref<1x832x32xf32, #tpu.memory_space<vmem>>
    %dma_start3A_507 = tpu.memref_squeeze %dma_start3A_506 : memref<1x832x32xf32, #tpu.memory_space<vmem>> -> memref<832x32xf32, #tpu.memory_space<vmem>>
    %dma_start3A_508 = arith.constant 0 : i32
    %dma_start3A_509 = tpu.memref_slice %arg4[%add3A_501, %dma_start3A_508] : memref<425984x32xf32, #tpu.memory_space<hbm>> -> memref<832x32xf32, #tpu.memory_space<hbm>>
    %dma_start3A_510 = tpu.memref_slice %arg8[%dma_start3A_503] : memref<4x!tpu.dma_semaphore, #tpu.memory_space<semaphore_mem>> -> memref<1x!tpu.dma_semaphore, #tpu.memory_space<semaphore_mem>>
    %dma_start3A_511 = tpu.memref_squeeze %dma_start3A_510 : memref<1x!tpu.dma_semaphore, #tpu.memory_space<semaphore_mem>> -> memref<!tpu.dma_semaphore, #tpu.memory_space<semaphore_mem>>
    %dma_start3A_512 = arith.constant 0 : i32
    %dma_start3A_513 = tpu.memref_slice %arg4[%add3A_501, %dma_start3A_512] : memref<425984x32xf32, #tpu.memory_space<hbm>> -> memref<832x32xf32, #tpu.memory_space<hbm>>
    %dma_start3A_514 = arith.constant 0 : i32
    %dma_start3A_515 = arith.constant 0 : i32
    %dma_start3A_516 = tpu.memref_slice %arg6[%dma_start3A_502, %dma_start3A_514, %dma_start3A_515] : memref<4x832x32xf32, #tpu.memory_space<vmem>> -> memref<1x832x32xf32, #tpu.memory_space<vmem>>
    %dma_start3A_517 = tpu.memref_squeeze %dma_start3A_516 : memref<1x832x32xf32, #tpu.memory_space<vmem>> -> memref<832x32xf32, #tpu.memory_space<vmem>>
    tpu.enqueue_dma source(%dma_start3A_517 : memref<832x32xf32, #tpu.memory_space<vmem>>) target(%dma_start3A_513 : memref<832x32xf32, #tpu.memory_space<hbm>>) target_semaphore(%dma_start3A_511 : memref<!tpu.dma_semaphore, #tpu.memory_space<semaphore_mem>>)
    %add3A_518 = arith.constant 5824 : i32
    %add3A_519 = arith.addi %mul3A_2, %add3A_518 : i32
    %dma_wait3A_520 = arith.constant 3 : i32
    %dma_wait3A_521 = arith.constant 3 : i32
    %dma_wait3A_522 = arith.constant 0 : i32
    %dma_wait3A_523 = arith.constant 0 : i32
    %dma_wait3A_524 = tpu.memref_slice %arg6[%dma_wait3A_520, %dma_wait3A_522, %dma_wait3A_523] : memref<4x832x32xf32, #tpu.memory_space<vmem>> -> memref<1x832x32xf32, #tpu.memory_space<vmem>>
    %dma_wait3A_525 = tpu.memref_squeeze %dma_wait3A_524 : memref<1x832x32xf32, #tpu.memory_space<vmem>> -> memref<832x32xf32, #tpu.memory_space<vmem>>
    %dma_wait3A_526 = arith.constant 0 : i32
    %dma_wait3A_527 = tpu.memref_slice %arg4[%add3A_519, %dma_wait3A_526] : memref<425984x32xf32, #tpu.memory_space<hbm>> -> memref<832x32xf32, #tpu.memory_space<hbm>>
    %dma_wait3A_528 = tpu.memref_slice %arg8[%dma_wait3A_521] : memref<4x!tpu.dma_semaphore, #tpu.memory_space<semaphore_mem>> -> memref<1x!tpu.dma_semaphore, #tpu.memory_space<semaphore_mem>>
    %dma_wait3A_529 = tpu.memref_squeeze %dma_wait3A_528 : memref<1x!tpu.dma_semaphore, #tpu.memory_space<semaphore_mem>> -> memref<!tpu.dma_semaphore, #tpu.memory_space<semaphore_mem>>
    %dma_wait3A_530 = arith.constant 0 : i32
    %dma_wait3A_531 = tpu.memref_slice %arg4[%add3A_519, %dma_wait3A_530] : memref<425984x32xf32, #tpu.memory_space<hbm>> -> memref<832x32xf32, #tpu.memory_space<hbm>>
    %dma_wait3A_532 = arith.constant 0 : i32
    %dma_wait3A_533 = arith.constant 0 : i32
    %dma_wait3A_534 = tpu.memref_slice %arg6[%dma_wait3A_520, %dma_wait3A_532, %dma_wait3A_533] : memref<4x832x32xf32, #tpu.memory_space<vmem>> -> memref<1x832x32xf32, #tpu.memory_space<vmem>>
    %dma_wait3A_535 = tpu.memref_squeeze %dma_wait3A_534 : memref<1x832x32xf32, #tpu.memory_space<vmem>> -> memref<832x32xf32, #tpu.memory_space<vmem>>
    tpu.wait_dma2 semaphore(%dma_wait3A_529 : memref<!tpu.dma_semaphore, #tpu.memory_space<semaphore_mem>>) src(%dma_wait3A_535 : memref<832x32xf32, #tpu.memory_space<vmem>>) dst(%dma_wait3A_531 : memref<832x32xf32, #tpu.memory_space<hbm>>)
    %dma_start3A_536 = arith.constant 3 : i32
    %dma_start3A_537 = arith.constant 3 : i32
    %dma_start3A_538 = arith.constant 0 : i32
    %dma_start3A_539 = arith.constant 0 : i32
    %dma_start3A_540 = tpu.memref_slice %arg6[%dma_start3A_536, %dma_start3A_538, %dma_start3A_539] : memref<4x832x32xf32, #tpu.memory_space<vmem>> -> memref<1x832x32xf32, #tpu.memory_space<vmem>>
    %dma_start3A_541 = tpu.memref_squeeze %dma_start3A_540 : memref<1x832x32xf32, #tpu.memory_space<vmem>> -> memref<832x32xf32, #tpu.memory_space<vmem>>
    %dma_start3A_542 = arith.constant 9152 : i32
    %dma_start3A_543 = tpu.memref_slice %arg5[%dma_start3A_542] : memref<13312xi32, #tpu.memory_space<vmem>> -> memref<832xi32, #tpu.memory_space<vmem>>
    %dma_start3A_544 = arith.constant 0 : i32
    %dma_start3A_545 = arith.constant 0 : i32
    %dma_start3A_546 = tpu.memref_slice %arg3[%dma_start3A_544, %dma_start3A_545] : memref<1000000x32xf32, #tpu.memory_space<hbm>> -> memref<1000000x32xf32, #tpu.memory_space<hbm>>
    %dma_start3A_547 = tpu.memref_slice %arg7[%dma_start3A_537] : memref<4x!tpu.dma_semaphore, #tpu.memory_space<semaphore_mem>> -> memref<1x!tpu.dma_semaphore, #tpu.memory_space<semaphore_mem>>
    %dma_start3A_548 = tpu.memref_squeeze %dma_start3A_547 : memref<1x!tpu.dma_semaphore, #tpu.memory_space<semaphore_mem>> -> memref<!tpu.dma_semaphore, #tpu.memory_space<semaphore_mem>>
    tpu.enqueue_indirect_dma source(%dma_start3A_546 : memref<1000000x32xf32, #tpu.memory_space<hbm>>) target(%dma_start3A_541 : memref<832x32xf32, #tpu.memory_space<vmem>>) offsets(%dma_start3A_543 : memref<832xi32, #tpu.memory_space<vmem>>) semaphore(%dma_start3A_548 : memref<!tpu.dma_semaphore, #tpu.memory_space<semaphore_mem>>)
    %dma_wait3A_549 = arith.constant 0 : i32
    %dma_wait3A_550 = arith.constant 0 : i32
    %dma_wait3A_551 = arith.constant 0 : i32
    %dma_wait3A_552 = arith.constant 0 : i32
    %dma_wait3A_553 = tpu.memref_slice %arg6[%dma_wait3A_549, %dma_wait3A_551, %dma_wait3A_552] : memref<4x832x32xf32, #tpu.memory_space<vmem>> -> memref<1x832x32xf32, #tpu.memory_space<vmem>>
    %dma_wait3A_554 = tpu.memref_squeeze %dma_wait3A_553 : memref<1x832x32xf32, #tpu.memory_space<vmem>> -> memref<832x32xf32, #tpu.memory_space<vmem>>
    %dma_wait3A_555 = arith.constant 6656 : i32
    %dma_wait3A_556 = tpu.memref_slice %arg5[%dma_wait3A_555] : memref<13312xi32, #tpu.memory_space<vmem>> -> memref<832xi32, #tpu.memory_space<vmem>>
    %dma_wait3A_557 = arith.constant 0 : i32
    %dma_wait3A_558 = arith.constant 0 : i32
    %dma_wait3A_559 = tpu.memref_slice %arg3[%dma_wait3A_557, %dma_wait3A_558] : memref<1000000x32xf32, #tpu.memory_space<hbm>> -> memref<1000000x32xf32, #tpu.memory_space<hbm>>
    %dma_wait3A_560 = tpu.memref_slice %arg7[%dma_wait3A_550] : memref<4x!tpu.dma_semaphore, #tpu.memory_space<semaphore_mem>> -> memref<1x!tpu.dma_semaphore, #tpu.memory_space<semaphore_mem>>
    %dma_wait3A_561 = tpu.memref_squeeze %dma_wait3A_560 : memref<1x!tpu.dma_semaphore, #tpu.memory_space<semaphore_mem>> -> memref<!tpu.dma_semaphore, #tpu.memory_space<semaphore_mem>>
    tpu.wait_indirect_dma semaphore(%dma_wait3A_561 : memref<!tpu.dma_semaphore, #tpu.memory_space<semaphore_mem>>) src(%dma_wait3A_559 : memref<1000000x32xf32, #tpu.memory_space<hbm>>) dst(%dma_wait3A_554 : memref<832x32xf32, #tpu.memory_space<vmem>>)
    %add3A_562 = arith.constant 6656 : i32
    %add3A_563 = arith.addi %mul3A_2, %add3A_562 : i32
    %dma_start3A_564 = arith.constant 0 : i32
    %dma_start3A_565 = arith.constant 0 : i32
    %dma_start3A_566 = arith.constant 0 : i32
    %dma_start3A_567 = arith.constant 0 : i32
    %dma_start3A_568 = tpu.memref_slice %arg6[%dma_start3A_564, %dma_start3A_566, %dma_start3A_567] : memref<4x832x32xf32, #tpu.memory_space<vmem>> -> memref<1x832x32xf32, #tpu.memory_space<vmem>>
    %dma_start3A_569 = tpu.memref_squeeze %dma_start3A_568 : memref<1x832x32xf32, #tpu.memory_space<vmem>> -> memref<832x32xf32, #tpu.memory_space<vmem>>
    %dma_start3A_570 = arith.constant 0 : i32
    %dma_start3A_571 = tpu.memref_slice %arg4[%add3A_563, %dma_start3A_570] : memref<425984x32xf32, #tpu.memory_space<hbm>> -> memref<832x32xf32, #tpu.memory_space<hbm>>
    %dma_start3A_572 = tpu.memref_slice %arg8[%dma_start3A_565] : memref<4x!tpu.dma_semaphore, #tpu.memory_space<semaphore_mem>> -> memref<1x!tpu.dma_semaphore, #tpu.memory_space<semaphore_mem>>
    %dma_start3A_573 = tpu.memref_squeeze %dma_start3A_572 : memref<1x!tpu.dma_semaphore, #tpu.memory_space<semaphore_mem>> -> memref<!tpu.dma_semaphore, #tpu.memory_space<semaphore_mem>>
    %dma_start3A_574 = arith.constant 0 : i32
    %dma_start3A_575 = tpu.memref_slice %arg4[%add3A_563, %dma_start3A_574] : memref<425984x32xf32, #tpu.memory_space<hbm>> -> memref<832x32xf32, #tpu.memory_space<hbm>>
    %dma_start3A_576 = arith.constant 0 : i32
    %dma_start3A_577 = arith.constant 0 : i32
    %dma_start3A_578 = tpu.memref_slice %arg6[%dma_start3A_564, %dma_start3A_576, %dma_start3A_577] : memref<4x832x32xf32, #tpu.memory_space<vmem>> -> memref<1x832x32xf32, #tpu.memory_space<vmem>>
    %dma_start3A_579 = tpu.memref_squeeze %dma_start3A_578 : memref<1x832x32xf32, #tpu.memory_space<vmem>> -> memref<832x32xf32, #tpu.memory_space<vmem>>
    tpu.enqueue_dma source(%dma_start3A_579 : memref<832x32xf32, #tpu.memory_space<vmem>>) target(%dma_start3A_575 : memref<832x32xf32, #tpu.memory_space<hbm>>) target_semaphore(%dma_start3A_573 : memref<!tpu.dma_semaphore, #tpu.memory_space<semaphore_mem>>)
    %add3A_580 = arith.constant 6656 : i32
    %add3A_581 = arith.addi %mul3A_2, %add3A_580 : i32
    %dma_wait3A_582 = arith.constant 0 : i32
    %dma_wait3A_583 = arith.constant 0 : i32
    %dma_wait3A_584 = arith.constant 0 : i32
    %dma_wait3A_585 = arith.constant 0 : i32
    %dma_wait3A_586 = tpu.memref_slice %arg6[%dma_wait3A_582, %dma_wait3A_584, %dma_wait3A_585] : memref<4x832x32xf32, #tpu.memory_space<vmem>> -> memref<1x832x32xf32, #tpu.memory_space<vmem>>
    %dma_wait3A_587 = tpu.memref_squeeze %dma_wait3A_586 : memref<1x832x32xf32, #tpu.memory_space<vmem>> -> memref<832x32xf32, #tpu.memory_space<vmem>>
    %dma_wait3A_588 = arith.constant 0 : i32
    %dma_wait3A_589 = tpu.memref_slice %arg4[%add3A_581, %dma_wait3A_588] : memref<425984x32xf32, #tpu.memory_space<hbm>> -> memref<832x32xf32, #tpu.memory_space<hbm>>
    %dma_wait3A_590 = tpu.memref_slice %arg8[%dma_wait3A_583] : memref<4x!tpu.dma_semaphore, #tpu.memory_space<semaphore_mem>> -> memref<1x!tpu.dma_semaphore, #tpu.memory_space<semaphore_mem>>
    %dma_wait3A_591 = tpu.memref_squeeze %dma_wait3A_590 : memref<1x!tpu.dma_semaphore, #tpu.memory_space<semaphore_mem>> -> memref<!tpu.dma_semaphore, #tpu.memory_space<semaphore_mem>>
    %dma_wait3A_592 = arith.constant 0 : i32
    %dma_wait3A_593 = tpu.memref_slice %arg4[%add3A_581, %dma_wait3A_592] : memref<425984x32xf32, #tpu.memory_space<hbm>> -> memref<832x32xf32, #tpu.memory_space<hbm>>
    %dma_wait3A_594 = arith.constant 0 : i32
    %dma_wait3A_595 = arith.constant 0 : i32
    %dma_wait3A_596 = tpu.memref_slice %arg6[%dma_wait3A_582, %dma_wait3A_594, %dma_wait3A_595] : memref<4x832x32xf32, #tpu.memory_space<vmem>> -> memref<1x832x32xf32, #tpu.memory_space<vmem>>
    %dma_wait3A_597 = tpu.memref_squeeze %dma_wait3A_596 : memref<1x832x32xf32, #tpu.memory_space<vmem>> -> memref<832x32xf32, #tpu.memory_space<vmem>>
    tpu.wait_dma2 semaphore(%dma_wait3A_591 : memref<!tpu.dma_semaphore, #tpu.memory_space<semaphore_mem>>) src(%dma_wait3A_597 : memref<832x32xf32, #tpu.memory_space<vmem>>) dst(%dma_wait3A_593 : memref<832x32xf32, #tpu.memory_space<hbm>>)
    %dma_start3A_598 = arith.constant 0 : i32
    %dma_start3A_599 = arith.constant 0 : i32
    %dma_start3A_600 = arith.constant 0 : i32
    %dma_start3A_601 = arith.constant 0 : i32
    %dma_start3A_602 = tpu.memref_slice %arg6[%dma_start3A_598, %dma_start3A_600, %dma_start3A_601] : memref<4x832x32xf32, #tpu.memory_space<vmem>> -> memref<1x832x32xf32, #tpu.memory_space<vmem>>
    %dma_start3A_603 = tpu.memref_squeeze %dma_start3A_602 : memref<1x832x32xf32, #tpu.memory_space<vmem>> -> memref<832x32xf32, #tpu.memory_space<vmem>>
    %dma_start3A_604 = arith.constant 9984 : i32
    %dma_start3A_605 = tpu.memref_slice %arg5[%dma_start3A_604] : memref<13312xi32, #tpu.memory_space<vmem>> -> memref<832xi32, #tpu.memory_space<vmem>>
    %dma_start3A_606 = arith.constant 0 : i32
    %dma_start3A_607 = arith.constant 0 : i32
    %dma_start3A_608 = tpu.memref_slice %arg3[%dma_start3A_606, %dma_start3A_607] : memref<1000000x32xf32, #tpu.memory_space<hbm>> -> memref<1000000x32xf32, #tpu.memory_space<hbm>>
    %dma_start3A_609 = tpu.memref_slice %arg7[%dma_start3A_599] : memref<4x!tpu.dma_semaphore, #tpu.memory_space<semaphore_mem>> -> memref<1x!tpu.dma_semaphore, #tpu.memory_space<semaphore_mem>>
    %dma_start3A_610 = tpu.memref_squeeze %dma_start3A_609 : memref<1x!tpu.dma_semaphore, #tpu.memory_space<semaphore_mem>> -> memref<!tpu.dma_semaphore, #tpu.memory_space<semaphore_mem>>
    tpu.enqueue_indirect_dma source(%dma_start3A_608 : memref<1000000x32xf32, #tpu.memory_space<hbm>>) target(%dma_start3A_603 : memref<832x32xf32, #tpu.memory_space<vmem>>) offsets(%dma_start3A_605 : memref<832xi32, #tpu.memory_space<vmem>>) semaphore(%dma_start3A_610 : memref<!tpu.dma_semaphore, #tpu.memory_space<semaphore_mem>>)
    %dma_wait3A_611 = arith.constant 1 : i32
    %dma_wait3A_612 = arith.constant 1 : i32
    %dma_wait3A_613 = arith.constant 0 : i32
    %dma_wait3A_614 = arith.constant 0 : i32
    %dma_wait3A_615 = tpu.memref_slice %arg6[%dma_wait3A_611, %dma_wait3A_613, %dma_wait3A_614] : memref<4x832x32xf32, #tpu.memory_space<vmem>> -> memref<1x832x32xf32, #tpu.memory_space<vmem>>
    %dma_wait3A_616 = tpu.memref_squeeze %dma_wait3A_615 : memref<1x832x32xf32, #tpu.memory_space<vmem>> -> memref<832x32xf32, #tpu.memory_space<vmem>>
    %dma_wait3A_617 = arith.constant 7488 : i32
    %dma_wait3A_618 = tpu.memref_slice %arg5[%dma_wait3A_617] : memref<13312xi32, #tpu.memory_space<vmem>> -> memref<832xi32, #tpu.memory_space<vmem>>
    %dma_wait3A_619 = arith.constant 0 : i32
    %dma_wait3A_620 = arith.constant 0 : i32
    %dma_wait3A_621 = tpu.memref_slice %arg3[%dma_wait3A_619, %dma_wait3A_620] : memref<1000000x32xf32, #tpu.memory_space<hbm>> -> memref<1000000x32xf32, #tpu.memory_space<hbm>>
    %dma_wait3A_622 = tpu.memref_slice %arg7[%dma_wait3A_612] : memref<4x!tpu.dma_semaphore, #tpu.memory_space<semaphore_mem>> -> memref<1x!tpu.dma_semaphore, #tpu.memory_space<semaphore_mem>>
    %dma_wait3A_623 = tpu.memref_squeeze %dma_wait3A_622 : memref<1x!tpu.dma_semaphore, #tpu.memory_space<semaphore_mem>> -> memref<!tpu.dma_semaphore, #tpu.memory_space<semaphore_mem>>
    tpu.wait_indirect_dma semaphore(%dma_wait3A_623 : memref<!tpu.dma_semaphore, #tpu.memory_space<semaphore_mem>>) src(%dma_wait3A_621 : memref<1000000x32xf32, #tpu.memory_space<hbm>>) dst(%dma_wait3A_616 : memref<832x32xf32, #tpu.memory_space<vmem>>)
    %add3A_624 = arith.constant 7488 : i32
    %add3A_625 = arith.addi %mul3A_2, %add3A_624 : i32
    %dma_start3A_626 = arith.constant 1 : i32
    %dma_start3A_627 = arith.constant 1 : i32
    %dma_start3A_628 = arith.constant 0 : i32
    %dma_start3A_629 = arith.constant 0 : i32
    %dma_start3A_630 = tpu.memref_slice %arg6[%dma_start3A_626, %dma_start3A_628, %dma_start3A_629] : memref<4x832x32xf32, #tpu.memory_space<vmem>> -> memref<1x832x32xf32, #tpu.memory_space<vmem>>
    %dma_start3A_631 = tpu.memref_squeeze %dma_start3A_630 : memref<1x832x32xf32, #tpu.memory_space<vmem>> -> memref<832x32xf32, #tpu.memory_space<vmem>>
    %dma_start3A_632 = arith.constant 0 : i32
    %dma_start3A_633 = tpu.memref_slice %arg4[%add3A_625, %dma_start3A_632] : memref<425984x32xf32, #tpu.memory_space<hbm>> -> memref<832x32xf32, #tpu.memory_space<hbm>>
    %dma_start3A_634 = tpu.memref_slice %arg8[%dma_start3A_627] : memref<4x!tpu.dma_semaphore, #tpu.memory_space<semaphore_mem>> -> memref<1x!tpu.dma_semaphore, #tpu.memory_space<semaphore_mem>>
    %dma_start3A_635 = tpu.memref_squeeze %dma_start3A_634 : memref<1x!tpu.dma_semaphore, #tpu.memory_space<semaphore_mem>> -> memref<!tpu.dma_semaphore, #tpu.memory_space<semaphore_mem>>
    %dma_start3A_636 = arith.constant 0 : i32
    %dma_start3A_637 = tpu.memref_slice %arg4[%add3A_625, %dma_start3A_636] : memref<425984x32xf32, #tpu.memory_space<hbm>> -> memref<832x32xf32, #tpu.memory_space<hbm>>
    %dma_start3A_638 = arith.constant 0 : i32
    %dma_start3A_639 = arith.constant 0 : i32
    %dma_start3A_640 = tpu.memref_slice %arg6[%dma_start3A_626, %dma_start3A_638, %dma_start3A_639] : memref<4x832x32xf32, #tpu.memory_space<vmem>> -> memref<1x832x32xf32, #tpu.memory_space<vmem>>
    %dma_start3A_641 = tpu.memref_squeeze %dma_start3A_640 : memref<1x832x32xf32, #tpu.memory_space<vmem>> -> memref<832x32xf32, #tpu.memory_space<vmem>>
    tpu.enqueue_dma source(%dma_start3A_641 : memref<832x32xf32, #tpu.memory_space<vmem>>) target(%dma_start3A_637 : memref<832x32xf32, #tpu.memory_space<hbm>>) target_semaphore(%dma_start3A_635 : memref<!tpu.dma_semaphore, #tpu.memory_space<semaphore_mem>>)
    %add3A_642 = arith.constant 7488 : i32
    %add3A_643 = arith.addi %mul3A_2, %add3A_642 : i32
    %dma_wait3A_644 = arith.constant 1 : i32
    %dma_wait3A_645 = arith.constant 1 : i32
    %dma_wait3A_646 = arith.constant 0 : i32
    %dma_wait3A_647 = arith.constant 0 : i32
    %dma_wait3A_648 = tpu.memref_slice %arg6[%dma_wait3A_644, %dma_wait3A_646, %dma_wait3A_647] : memref<4x832x32xf32, #tpu.memory_space<vmem>> -> memref<1x832x32xf32, #tpu.memory_space<vmem>>
    %dma_wait3A_649 = tpu.memref_squeeze %dma_wait3A_648 : memref<1x832x32xf32, #tpu.memory_space<vmem>> -> memref<832x32xf32, #tpu.memory_space<vmem>>
    %dma_wait3A_650 = arith.constant 0 : i32
    %dma_wait3A_651 = tpu.memref_slice %arg4[%add3A_643, %dma_wait3A_650] : memref<425984x32xf32, #tpu.memory_space<hbm>> -> memref<832x32xf32, #tpu.memory_space<hbm>>
    %dma_wait3A_652 = tpu.memref_slice %arg8[%dma_wait3A_645] : memref<4x!tpu.dma_semaphore, #tpu.memory_space<semaphore_mem>> -> memref<1x!tpu.dma_semaphore, #tpu.memory_space<semaphore_mem>>
    %dma_wait3A_653 = tpu.memref_squeeze %dma_wait3A_652 : memref<1x!tpu.dma_semaphore, #tpu.memory_space<semaphore_mem>> -> memref<!tpu.dma_semaphore, #tpu.memory_space<semaphore_mem>>
    %dma_wait3A_654 = arith.constant 0 : i32
    %dma_wait3A_655 = tpu.memref_slice %arg4[%add3A_643, %dma_wait3A_654] : memref<425984x32xf32, #tpu.memory_space<hbm>> -> memref<832x32xf32, #tpu.memory_space<hbm>>
    %dma_wait3A_656 = arith.constant 0 : i32
    %dma_wait3A_657 = arith.constant 0 : i32
    %dma_wait3A_658 = tpu.memref_slice %arg6[%dma_wait3A_644, %dma_wait3A_656, %dma_wait3A_657] : memref<4x832x32xf32, #tpu.memory_space<vmem>> -> memref<1x832x32xf32, #tpu.memory_space<vmem>>
    %dma_wait3A_659 = tpu.memref_squeeze %dma_wait3A_658 : memref<1x832x32xf32, #tpu.memory_space<vmem>> -> memref<832x32xf32, #tpu.memory_space<vmem>>
    tpu.wait_dma2 semaphore(%dma_wait3A_653 : memref<!tpu.dma_semaphore, #tpu.memory_space<semaphore_mem>>) src(%dma_wait3A_659 : memref<832x32xf32, #tpu.memory_space<vmem>>) dst(%dma_wait3A_655 : memref<832x32xf32, #tpu.memory_space<hbm>>)
    %dma_start3A_660 = arith.constant 1 : i32
    %dma_start3A_661 = arith.constant 1 : i32
    %dma_start3A_662 = arith.constant 0 : i32
    %dma_start3A_663 = arith.constant 0 : i32
    %dma_start3A_664 = tpu.memref_slice %arg6[%dma_start3A_660, %dma_start3A_662, %dma_start3A_663] : memref<4x832x32xf32, #tpu.memory_space<vmem>> -> memref<1x832x32xf32, #tpu.memory_space<vmem>>
    %dma_start3A_665 = tpu.memref_squeeze %dma_start3A_664 : memref<1x832x32xf32, #tpu.memory_space<vmem>> -> memref<832x32xf32, #tpu.memory_space<vmem>>
    %dma_start3A_666 = arith.constant 10816 : i32
    %dma_start3A_667 = tpu.memref_slice %arg5[%dma_start3A_666] : memref<13312xi32, #tpu.memory_space<vmem>> -> memref<832xi32, #tpu.memory_space<vmem>>
    %dma_start3A_668 = arith.constant 0 : i32
    %dma_start3A_669 = arith.constant 0 : i32
    %dma_start3A_670 = tpu.memref_slice %arg3[%dma_start3A_668, %dma_start3A_669] : memref<1000000x32xf32, #tpu.memory_space<hbm>> -> memref<1000000x32xf32, #tpu.memory_space<hbm>>
    %dma_start3A_671 = tpu.memref_slice %arg7[%dma_start3A_661] : memref<4x!tpu.dma_semaphore, #tpu.memory_space<semaphore_mem>> -> memref<1x!tpu.dma_semaphore, #tpu.memory_space<semaphore_mem>>
    %dma_start3A_672 = tpu.memref_squeeze %dma_start3A_671 : memref<1x!tpu.dma_semaphore, #tpu.memory_space<semaphore_mem>> -> memref<!tpu.dma_semaphore, #tpu.memory_space<semaphore_mem>>
    tpu.enqueue_indirect_dma source(%dma_start3A_670 : memref<1000000x32xf32, #tpu.memory_space<hbm>>) target(%dma_start3A_665 : memref<832x32xf32, #tpu.memory_space<vmem>>) offsets(%dma_start3A_667 : memref<832xi32, #tpu.memory_space<vmem>>) semaphore(%dma_start3A_672 : memref<!tpu.dma_semaphore, #tpu.memory_space<semaphore_mem>>)
    %dma_wait3A_673 = arith.constant 2 : i32
    %dma_wait3A_674 = arith.constant 2 : i32
    %dma_wait3A_675 = arith.constant 0 : i32
    %dma_wait3A_676 = arith.constant 0 : i32
    %dma_wait3A_677 = tpu.memref_slice %arg6[%dma_wait3A_673, %dma_wait3A_675, %dma_wait3A_676] : memref<4x832x32xf32, #tpu.memory_space<vmem>> -> memref<1x832x32xf32, #tpu.memory_space<vmem>>
    %dma_wait3A_678 = tpu.memref_squeeze %dma_wait3A_677 : memref<1x832x32xf32, #tpu.memory_space<vmem>> -> memref<832x32xf32, #tpu.memory_space<vmem>>
    %dma_wait3A_679 = arith.constant 8320 : i32
    %dma_wait3A_680 = tpu.memref_slice %arg5[%dma_wait3A_679] : memref<13312xi32, #tpu.memory_space<vmem>> -> memref<832xi32, #tpu.memory_space<vmem>>
    %dma_wait3A_681 = arith.constant 0 : i32
    %dma_wait3A_682 = arith.constant 0 : i32
    %dma_wait3A_683 = tpu.memref_slice %arg3[%dma_wait3A_681, %dma_wait3A_682] : memref<1000000x32xf32, #tpu.memory_space<hbm>> -> memref<1000000x32xf32, #tpu.memory_space<hbm>>
    %dma_wait3A_684 = tpu.memref_slice %arg7[%dma_wait3A_674] : memref<4x!tpu.dma_semaphore, #tpu.memory_space<semaphore_mem>> -> memref<1x!tpu.dma_semaphore, #tpu.memory_space<semaphore_mem>>
    %dma_wait3A_685 = tpu.memref_squeeze %dma_wait3A_684 : memref<1x!tpu.dma_semaphore, #tpu.memory_space<semaphore_mem>> -> memref<!tpu.dma_semaphore, #tpu.memory_space<semaphore_mem>>
    tpu.wait_indirect_dma semaphore(%dma_wait3A_685 : memref<!tpu.dma_semaphore, #tpu.memory_space<semaphore_mem>>) src(%dma_wait3A_683 : memref<1000000x32xf32, #tpu.memory_space<hbm>>) dst(%dma_wait3A_678 : memref<832x32xf32, #tpu.memory_space<vmem>>)
    %add3A_686 = arith.constant 8320 : i32
    %add3A_687 = arith.addi %mul3A_2, %add3A_686 : i32
    %dma_start3A_688 = arith.constant 2 : i32
    %dma_start3A_689 = arith.constant 2 : i32
    %dma_start3A_690 = arith.constant 0 : i32
    %dma_start3A_691 = arith.constant 0 : i32
    %dma_start3A_692 = tpu.memref_slice %arg6[%dma_start3A_688, %dma_start3A_690, %dma_start3A_691] : memref<4x832x32xf32, #tpu.memory_space<vmem>> -> memref<1x832x32xf32, #tpu.memory_space<vmem>>
    %dma_start3A_693 = tpu.memref_squeeze %dma_start3A_692 : memref<1x832x32xf32, #tpu.memory_space<vmem>> -> memref<832x32xf32, #tpu.memory_space<vmem>>
    %dma_start3A_694 = arith.constant 0 : i32
    %dma_start3A_695 = tpu.memref_slice %arg4[%add3A_687, %dma_start3A_694] : memref<425984x32xf32, #tpu.memory_space<hbm>> -> memref<832x32xf32, #tpu.memory_space<hbm>>
    %dma_start3A_696 = tpu.memref_slice %arg8[%dma_start3A_689] : memref<4x!tpu.dma_semaphore, #tpu.memory_space<semaphore_mem>> -> memref<1x!tpu.dma_semaphore, #tpu.memory_space<semaphore_mem>>
    %dma_start3A_697 = tpu.memref_squeeze %dma_start3A_696 : memref<1x!tpu.dma_semaphore, #tpu.memory_space<semaphore_mem>> -> memref<!tpu.dma_semaphore, #tpu.memory_space<semaphore_mem>>
    %dma_start3A_698 = arith.constant 0 : i32
    %dma_start3A_699 = tpu.memref_slice %arg4[%add3A_687, %dma_start3A_698] : memref<425984x32xf32, #tpu.memory_space<hbm>> -> memref<832x32xf32, #tpu.memory_space<hbm>>
    %dma_start3A_700 = arith.constant 0 : i32
    %dma_start3A_701 = arith.constant 0 : i32
    %dma_start3A_702 = tpu.memref_slice %arg6[%dma_start3A_688, %dma_start3A_700, %dma_start3A_701] : memref<4x832x32xf32, #tpu.memory_space<vmem>> -> memref<1x832x32xf32, #tpu.memory_space<vmem>>
    %dma_start3A_703 = tpu.memref_squeeze %dma_start3A_702 : memref<1x832x32xf32, #tpu.memory_space<vmem>> -> memref<832x32xf32, #tpu.memory_space<vmem>>
    tpu.enqueue_dma source(%dma_start3A_703 : memref<832x32xf32, #tpu.memory_space<vmem>>) target(%dma_start3A_699 : memref<832x32xf32, #tpu.memory_space<hbm>>) target_semaphore(%dma_start3A_697 : memref<!tpu.dma_semaphore, #tpu.memory_space<semaphore_mem>>)
    %add3A_704 = arith.constant 8320 : i32
    %add3A_705 = arith.addi %mul3A_2, %add3A_704 : i32
    %dma_wait3A_706 = arith.constant 2 : i32
    %dma_wait3A_707 = arith.constant 2 : i32
    %dma_wait3A_708 = arith.constant 0 : i32
    %dma_wait3A_709 = arith.constant 0 : i32
    %dma_wait3A_710 = tpu.memref_slice %arg6[%dma_wait3A_706, %dma_wait3A_708, %dma_wait3A_709] : memref<4x832x32xf32, #tpu.memory_space<vmem>> -> memref<1x832x32xf32, #tpu.memory_space<vmem>>
    %dma_wait3A_711 = tpu.memref_squeeze %dma_wait3A_710 : memref<1x832x32xf32, #tpu.memory_space<vmem>> -> memref<832x32xf32, #tpu.memory_space<vmem>>
    %dma_wait3A_712 = arith.constant 0 : i32
    %dma_wait3A_713 = tpu.memref_slice %arg4[%add3A_705, %dma_wait3A_712] : memref<425984x32xf32, #tpu.memory_space<hbm>> -> memref<832x32xf32, #tpu.memory_space<hbm>>
    %dma_wait3A_714 = tpu.memref_slice %arg8[%dma_wait3A_707] : memref<4x!tpu.dma_semaphore, #tpu.memory_space<semaphore_mem>> -> memref<1x!tpu.dma_semaphore, #tpu.memory_space<semaphore_mem>>
    %dma_wait3A_715 = tpu.memref_squeeze %dma_wait3A_714 : memref<1x!tpu.dma_semaphore, #tpu.memory_space<semaphore_mem>> -> memref<!tpu.dma_semaphore, #tpu.memory_space<semaphore_mem>>
    %dma_wait3A_716 = arith.constant 0 : i32
    %dma_wait3A_717 = tpu.memref_slice %arg4[%add3A_705, %dma_wait3A_716] : memref<425984x32xf32, #tpu.memory_space<hbm>> -> memref<832x32xf32, #tpu.memory_space<hbm>>
    %dma_wait3A_718 = arith.constant 0 : i32
    %dma_wait3A_719 = arith.constant 0 : i32
    %dma_wait3A_720 = tpu.memref_slice %arg6[%dma_wait3A_706, %dma_wait3A_718, %dma_wait3A_719] : memref<4x832x32xf32, #tpu.memory_space<vmem>> -> memref<1x832x32xf32, #tpu.memory_space<vmem>>
    %dma_wait3A_721 = tpu.memref_squeeze %dma_wait3A_720 : memref<1x832x32xf32, #tpu.memory_space<vmem>> -> memref<832x32xf32, #tpu.memory_space<vmem>>
    tpu.wait_dma2 semaphore(%dma_wait3A_715 : memref<!tpu.dma_semaphore, #tpu.memory_space<semaphore_mem>>) src(%dma_wait3A_721 : memref<832x32xf32, #tpu.memory_space<vmem>>) dst(%dma_wait3A_717 : memref<832x32xf32, #tpu.memory_space<hbm>>)
    %dma_start3A_722 = arith.constant 2 : i32
    %dma_start3A_723 = arith.constant 2 : i32
    %dma_start3A_724 = arith.constant 0 : i32
    %dma_start3A_725 = arith.constant 0 : i32
    %dma_start3A_726 = tpu.memref_slice %arg6[%dma_start3A_722, %dma_start3A_724, %dma_start3A_725] : memref<4x832x32xf32, #tpu.memory_space<vmem>> -> memref<1x832x32xf32, #tpu.memory_space<vmem>>
    %dma_start3A_727 = tpu.memref_squeeze %dma_start3A_726 : memref<1x832x32xf32, #tpu.memory_space<vmem>> -> memref<832x32xf32, #tpu.memory_space<vmem>>
    %dma_start3A_728 = arith.constant 11648 : i32
    %dma_start3A_729 = tpu.memref_slice %arg5[%dma_start3A_728] : memref<13312xi32, #tpu.memory_space<vmem>> -> memref<832xi32, #tpu.memory_space<vmem>>
    %dma_start3A_730 = arith.constant 0 : i32
    %dma_start3A_731 = arith.constant 0 : i32
    %dma_start3A_732 = tpu.memref_slice %arg3[%dma_start3A_730, %dma_start3A_731] : memref<1000000x32xf32, #tpu.memory_space<hbm>> -> memref<1000000x32xf32, #tpu.memory_space<hbm>>
    %dma_start3A_733 = tpu.memref_slice %arg7[%dma_start3A_723] : memref<4x!tpu.dma_semaphore, #tpu.memory_space<semaphore_mem>> -> memref<1x!tpu.dma_semaphore, #tpu.memory_space<semaphore_mem>>
    %dma_start3A_734 = tpu.memref_squeeze %dma_start3A_733 : memref<1x!tpu.dma_semaphore, #tpu.memory_space<semaphore_mem>> -> memref<!tpu.dma_semaphore, #tpu.memory_space<semaphore_mem>>
    tpu.enqueue_indirect_dma source(%dma_start3A_732 : memref<1000000x32xf32, #tpu.memory_space<hbm>>) target(%dma_start3A_727 : memref<832x32xf32, #tpu.memory_space<vmem>>) offsets(%dma_start3A_729 : memref<832xi32, #tpu.memory_space<vmem>>) semaphore(%dma_start3A_734 : memref<!tpu.dma_semaphore, #tpu.memory_space<semaphore_mem>>)
    %dma_wait3A_735 = arith.constant 3 : i32
    %dma_wait3A_736 = arith.constant 3 : i32
    %dma_wait3A_737 = arith.constant 0 : i32
    %dma_wait3A_738 = arith.constant 0 : i32
    %dma_wait3A_739 = tpu.memref_slice %arg6[%dma_wait3A_735, %dma_wait3A_737, %dma_wait3A_738] : memref<4x832x32xf32, #tpu.memory_space<vmem>> -> memref<1x832x32xf32, #tpu.memory_space<vmem>>
    %dma_wait3A_740 = tpu.memref_squeeze %dma_wait3A_739 : memref<1x832x32xf32, #tpu.memory_space<vmem>> -> memref<832x32xf32, #tpu.memory_space<vmem>>
    %dma_wait3A_741 = arith.constant 9152 : i32
    %dma_wait3A_742 = tpu.memref_slice %arg5[%dma_wait3A_741] : memref<13312xi32, #tpu.memory_space<vmem>> -> memref<832xi32, #tpu.memory_space<vmem>>
    %dma_wait3A_743 = arith.constant 0 : i32
    %dma_wait3A_744 = arith.constant 0 : i32
    %dma_wait3A_745 = tpu.memref_slice %arg3[%dma_wait3A_743, %dma_wait3A_744] : memref<1000000x32xf32, #tpu.memory_space<hbm>> -> memref<1000000x32xf32, #tpu.memory_space<hbm>>
    %dma_wait3A_746 = tpu.memref_slice %arg7[%dma_wait3A_736] : memref<4x!tpu.dma_semaphore, #tpu.memory_space<semaphore_mem>> -> memref<1x!tpu.dma_semaphore, #tpu.memory_space<semaphore_mem>>
    %dma_wait3A_747 = tpu.memref_squeeze %dma_wait3A_746 : memref<1x!tpu.dma_semaphore, #tpu.memory_space<semaphore_mem>> -> memref<!tpu.dma_semaphore, #tpu.memory_space<semaphore_mem>>
    tpu.wait_indirect_dma semaphore(%dma_wait3A_747 : memref<!tpu.dma_semaphore, #tpu.memory_space<semaphore_mem>>) src(%dma_wait3A_745 : memref<1000000x32xf32, #tpu.memory_space<hbm>>) dst(%dma_wait3A_740 : memref<832x32xf32, #tpu.memory_space<vmem>>)
    %add3A_748 = arith.constant 9152 : i32
    %add3A_749 = arith.addi %mul3A_2, %add3A_748 : i32
    %dma_start3A_750 = arith.constant 3 : i32
    %dma_start3A_751 = arith.constant 3 : i32
    %dma_start3A_752 = arith.constant 0 : i32
    %dma_start3A_753 = arith.constant 0 : i32
    %dma_start3A_754 = tpu.memref_slice %arg6[%dma_start3A_750, %dma_start3A_752, %dma_start3A_753] : memref<4x832x32xf32, #tpu.memory_space<vmem>> -> memref<1x832x32xf32, #tpu.memory_space<vmem>>
    %dma_start3A_755 = tpu.memref_squeeze %dma_start3A_754 : memref<1x832x32xf32, #tpu.memory_space<vmem>> -> memref<832x32xf32, #tpu.memory_space<vmem>>
    %dma_start3A_756 = arith.constant 0 : i32
    %dma_start3A_757 = tpu.memref_slice %arg4[%add3A_749, %dma_start3A_756] : memref<425984x32xf32, #tpu.memory_space<hbm>> -> memref<832x32xf32, #tpu.memory_space<hbm>>
    %dma_start3A_758 = tpu.memref_slice %arg8[%dma_start3A_751] : memref<4x!tpu.dma_semaphore, #tpu.memory_space<semaphore_mem>> -> memref<1x!tpu.dma_semaphore, #tpu.memory_space<semaphore_mem>>
    %dma_start3A_759 = tpu.memref_squeeze %dma_start3A_758 : memref<1x!tpu.dma_semaphore, #tpu.memory_space<semaphore_mem>> -> memref<!tpu.dma_semaphore, #tpu.memory_space<semaphore_mem>>
    %dma_start3A_760 = arith.constant 0 : i32
    %dma_start3A_761 = tpu.memref_slice %arg4[%add3A_749, %dma_start3A_760] : memref<425984x32xf32, #tpu.memory_space<hbm>> -> memref<832x32xf32, #tpu.memory_space<hbm>>
    %dma_start3A_762 = arith.constant 0 : i32
    %dma_start3A_763 = arith.constant 0 : i32
    %dma_start3A_764 = tpu.memref_slice %arg6[%dma_start3A_750, %dma_start3A_762, %dma_start3A_763] : memref<4x832x32xf32, #tpu.memory_space<vmem>> -> memref<1x832x32xf32, #tpu.memory_space<vmem>>
    %dma_start3A_765 = tpu.memref_squeeze %dma_start3A_764 : memref<1x832x32xf32, #tpu.memory_space<vmem>> -> memref<832x32xf32, #tpu.memory_space<vmem>>
    tpu.enqueue_dma source(%dma_start3A_765 : memref<832x32xf32, #tpu.memory_space<vmem>>) target(%dma_start3A_761 : memref<832x32xf32, #tpu.memory_space<hbm>>) target_semaphore(%dma_start3A_759 : memref<!tpu.dma_semaphore, #tpu.memory_space<semaphore_mem>>)
    %add3A_766 = arith.constant 9152 : i32
    %add3A_767 = arith.addi %mul3A_2, %add3A_766 : i32
    %dma_wait3A_768 = arith.constant 3 : i32
    %dma_wait3A_769 = arith.constant 3 : i32
    %dma_wait3A_770 = arith.constant 0 : i32
    %dma_wait3A_771 = arith.constant 0 : i32
    %dma_wait3A_772 = tpu.memref_slice %arg6[%dma_wait3A_768, %dma_wait3A_770, %dma_wait3A_771] : memref<4x832x32xf32, #tpu.memory_space<vmem>> -> memref<1x832x32xf32, #tpu.memory_space<vmem>>
    %dma_wait3A_773 = tpu.memref_squeeze %dma_wait3A_772 : memref<1x832x32xf32, #tpu.memory_space<vmem>> -> memref<832x32xf32, #tpu.memory_space<vmem>>
    %dma_wait3A_774 = arith.constant 0 : i32
    %dma_wait3A_775 = tpu.memref_slice %arg4[%add3A_767, %dma_wait3A_774] : memref<425984x32xf32, #tpu.memory_space<hbm>> -> memref<832x32xf32, #tpu.memory_space<hbm>>
    %dma_wait3A_776 = tpu.memref_slice %arg8[%dma_wait3A_769] : memref<4x!tpu.dma_semaphore, #tpu.memory_space<semaphore_mem>> -> memref<1x!tpu.dma_semaphore, #tpu.memory_space<semaphore_mem>>
    %dma_wait3A_777 = tpu.memref_squeeze %dma_wait3A_776 : memref<1x!tpu.dma_semaphore, #tpu.memory_space<semaphore_mem>> -> memref<!tpu.dma_semaphore, #tpu.memory_space<semaphore_mem>>
    %dma_wait3A_778 = arith.constant 0 : i32
    %dma_wait3A_779 = tpu.memref_slice %arg4[%add3A_767, %dma_wait3A_778] : memref<425984x32xf32, #tpu.memory_space<hbm>> -> memref<832x32xf32, #tpu.memory_space<hbm>>
    %dma_wait3A_780 = arith.constant 0 : i32
    %dma_wait3A_781 = arith.constant 0 : i32
    %dma_wait3A_782 = tpu.memref_slice %arg6[%dma_wait3A_768, %dma_wait3A_780, %dma_wait3A_781] : memref<4x832x32xf32, #tpu.memory_space<vmem>> -> memref<1x832x32xf32, #tpu.memory_space<vmem>>
    %dma_wait3A_783 = tpu.memref_squeeze %dma_wait3A_782 : memref<1x832x32xf32, #tpu.memory_space<vmem>> -> memref<832x32xf32, #tpu.memory_space<vmem>>
    tpu.wait_dma2 semaphore(%dma_wait3A_777 : memref<!tpu.dma_semaphore, #tpu.memory_space<semaphore_mem>>) src(%dma_wait3A_783 : memref<832x32xf32, #tpu.memory_space<vmem>>) dst(%dma_wait3A_779 : memref<832x32xf32, #tpu.memory_space<hbm>>)
    %dma_start3A_784 = arith.constant 3 : i32
    %dma_start3A_785 = arith.constant 3 : i32
    %dma_start3A_786 = arith.constant 0 : i32
    %dma_start3A_787 = arith.constant 0 : i32
    %dma_start3A_788 = tpu.memref_slice %arg6[%dma_start3A_784, %dma_start3A_786, %dma_start3A_787] : memref<4x832x32xf32, #tpu.memory_space<vmem>> -> memref<1x832x32xf32, #tpu.memory_space<vmem>>
    %dma_start3A_789 = tpu.memref_squeeze %dma_start3A_788 : memref<1x832x32xf32, #tpu.memory_space<vmem>> -> memref<832x32xf32, #tpu.memory_space<vmem>>
    %dma_start3A_790 = arith.constant 12480 : i32
    %dma_start3A_791 = tpu.memref_slice %arg5[%dma_start3A_790] : memref<13312xi32, #tpu.memory_space<vmem>> -> memref<832xi32, #tpu.memory_space<vmem>>
    %dma_start3A_792 = arith.constant 0 : i32
    %dma_start3A_793 = arith.constant 0 : i32
    %dma_start3A_794 = tpu.memref_slice %arg3[%dma_start3A_792, %dma_start3A_793] : memref<1000000x32xf32, #tpu.memory_space<hbm>> -> memref<1000000x32xf32, #tpu.memory_space<hbm>>
    %dma_start3A_795 = tpu.memref_slice %arg7[%dma_start3A_785] : memref<4x!tpu.dma_semaphore, #tpu.memory_space<semaphore_mem>> -> memref<1x!tpu.dma_semaphore, #tpu.memory_space<semaphore_mem>>
    %dma_start3A_796 = tpu.memref_squeeze %dma_start3A_795 : memref<1x!tpu.dma_semaphore, #tpu.memory_space<semaphore_mem>> -> memref<!tpu.dma_semaphore, #tpu.memory_space<semaphore_mem>>
    tpu.enqueue_indirect_dma source(%dma_start3A_794 : memref<1000000x32xf32, #tpu.memory_space<hbm>>) target(%dma_start3A_789 : memref<832x32xf32, #tpu.memory_space<vmem>>) offsets(%dma_start3A_791 : memref<832xi32, #tpu.memory_space<vmem>>) semaphore(%dma_start3A_796 : memref<!tpu.dma_semaphore, #tpu.memory_space<semaphore_mem>>)
    %dma_wait3A_797 = arith.constant 0 : i32
    %dma_wait3A_798 = arith.constant 0 : i32
    %dma_wait3A_799 = arith.constant 0 : i32
    %dma_wait3A_800 = arith.constant 0 : i32
    %dma_wait3A_801 = tpu.memref_slice %arg6[%dma_wait3A_797, %dma_wait3A_799, %dma_wait3A_800] : memref<4x832x32xf32, #tpu.memory_space<vmem>> -> memref<1x832x32xf32, #tpu.memory_space<vmem>>
    %dma_wait3A_802 = tpu.memref_squeeze %dma_wait3A_801 : memref<1x832x32xf32, #tpu.memory_space<vmem>> -> memref<832x32xf32, #tpu.memory_space<vmem>>
    %dma_wait3A_803 = arith.constant 9984 : i32
    %dma_wait3A_804 = tpu.memref_slice %arg5[%dma_wait3A_803] : memref<13312xi32, #tpu.memory_space<vmem>> -> memref<832xi32, #tpu.memory_space<vmem>>
    %dma_wait3A_805 = arith.constant 0 : i32
    %dma_wait3A_806 = arith.constant 0 : i32
    %dma_wait3A_807 = tpu.memref_slice %arg3[%dma_wait3A_805, %dma_wait3A_806] : memref<1000000x32xf32, #tpu.memory_space<hbm>> -> memref<1000000x32xf32, #tpu.memory_space<hbm>>
    %dma_wait3A_808 = tpu.memref_slice %arg7[%dma_wait3A_798] : memref<4x!tpu.dma_semaphore, #tpu.memory_space<semaphore_mem>> -> memref<1x!tpu.dma_semaphore, #tpu.memory_space<semaphore_mem>>
    %dma_wait3A_809 = tpu.memref_squeeze %dma_wait3A_808 : memref<1x!tpu.dma_semaphore, #tpu.memory_space<semaphore_mem>> -> memref<!tpu.dma_semaphore, #tpu.memory_space<semaphore_mem>>
    tpu.wait_indirect_dma semaphore(%dma_wait3A_809 : memref<!tpu.dma_semaphore, #tpu.memory_space<semaphore_mem>>) src(%dma_wait3A_807 : memref<1000000x32xf32, #tpu.memory_space<hbm>>) dst(%dma_wait3A_802 : memref<832x32xf32, #tpu.memory_space<vmem>>)
    %add3A_810 = arith.constant 9984 : i32
    %add3A_811 = arith.addi %mul3A_2, %add3A_810 : i32
    %dma_start3A_812 = arith.constant 0 : i32
    %dma_start3A_813 = arith.constant 0 : i32
    %dma_start3A_814 = arith.constant 0 : i32
    %dma_start3A_815 = arith.constant 0 : i32
    %dma_start3A_816 = tpu.memref_slice %arg6[%dma_start3A_812, %dma_start3A_814, %dma_start3A_815] : memref<4x832x32xf32, #tpu.memory_space<vmem>> -> memref<1x832x32xf32, #tpu.memory_space<vmem>>
    %dma_start3A_817 = tpu.memref_squeeze %dma_start3A_816 : memref<1x832x32xf32, #tpu.memory_space<vmem>> -> memref<832x32xf32, #tpu.memory_space<vmem>>
    %dma_start3A_818 = arith.constant 0 : i32
    %dma_start3A_819 = tpu.memref_slice %arg4[%add3A_811, %dma_start3A_818] : memref<425984x32xf32, #tpu.memory_space<hbm>> -> memref<832x32xf32, #tpu.memory_space<hbm>>
    %dma_start3A_820 = tpu.memref_slice %arg8[%dma_start3A_813] : memref<4x!tpu.dma_semaphore, #tpu.memory_space<semaphore_mem>> -> memref<1x!tpu.dma_semaphore, #tpu.memory_space<semaphore_mem>>
    %dma_start3A_821 = tpu.memref_squeeze %dma_start3A_820 : memref<1x!tpu.dma_semaphore, #tpu.memory_space<semaphore_mem>> -> memref<!tpu.dma_semaphore, #tpu.memory_space<semaphore_mem>>
    %dma_start3A_822 = arith.constant 0 : i32
    %dma_start3A_823 = tpu.memref_slice %arg4[%add3A_811, %dma_start3A_822] : memref<425984x32xf32, #tpu.memory_space<hbm>> -> memref<832x32xf32, #tpu.memory_space<hbm>>
    %dma_start3A_824 = arith.constant 0 : i32
    %dma_start3A_825 = arith.constant 0 : i32
    %dma_start3A_826 = tpu.memref_slice %arg6[%dma_start3A_812, %dma_start3A_824, %dma_start3A_825] : memref<4x832x32xf32, #tpu.memory_space<vmem>> -> memref<1x832x32xf32, #tpu.memory_space<vmem>>
    %dma_start3A_827 = tpu.memref_squeeze %dma_start3A_826 : memref<1x832x32xf32, #tpu.memory_space<vmem>> -> memref<832x32xf32, #tpu.memory_space<vmem>>
    tpu.enqueue_dma source(%dma_start3A_827 : memref<832x32xf32, #tpu.memory_space<vmem>>) target(%dma_start3A_823 : memref<832x32xf32, #tpu.memory_space<hbm>>) target_semaphore(%dma_start3A_821 : memref<!tpu.dma_semaphore, #tpu.memory_space<semaphore_mem>>)
    %dma_wait3A_828 = arith.constant 1 : i32
    %dma_wait3A_829 = arith.constant 1 : i32
    %dma_wait3A_830 = arith.constant 0 : i32
    %dma_wait3A_831 = arith.constant 0 : i32
    %dma_wait3A_832 = tpu.memref_slice %arg6[%dma_wait3A_828, %dma_wait3A_830, %dma_wait3A_831] : memref<4x832x32xf32, #tpu.memory_space<vmem>> -> memref<1x832x32xf32, #tpu.memory_space<vmem>>
    %dma_wait3A_833 = tpu.memref_squeeze %dma_wait3A_832 : memref<1x832x32xf32, #tpu.memory_space<vmem>> -> memref<832x32xf32, #tpu.memory_space<vmem>>
    %dma_wait3A_834 = arith.constant 10816 : i32
    %dma_wait3A_835 = tpu.memref_slice %arg5[%dma_wait3A_834] : memref<13312xi32, #tpu.memory_space<vmem>> -> memref<832xi32, #tpu.memory_space<vmem>>
    %dma_wait3A_836 = arith.constant 0 : i32
    %dma_wait3A_837 = arith.constant 0 : i32
    %dma_wait3A_838 = tpu.memref_slice %arg3[%dma_wait3A_836, %dma_wait3A_837] : memref<1000000x32xf32, #tpu.memory_space<hbm>> -> memref<1000000x32xf32, #tpu.memory_space<hbm>>
    %dma_wait3A_839 = tpu.memref_slice %arg7[%dma_wait3A_829] : memref<4x!tpu.dma_semaphore, #tpu.memory_space<semaphore_mem>> -> memref<1x!tpu.dma_semaphore, #tpu.memory_space<semaphore_mem>>
    %dma_wait3A_840 = tpu.memref_squeeze %dma_wait3A_839 : memref<1x!tpu.dma_semaphore, #tpu.memory_space<semaphore_mem>> -> memref<!tpu.dma_semaphore, #tpu.memory_space<semaphore_mem>>
    tpu.wait_indirect_dma semaphore(%dma_wait3A_840 : memref<!tpu.dma_semaphore, #tpu.memory_space<semaphore_mem>>) src(%dma_wait3A_838 : memref<1000000x32xf32, #tpu.memory_space<hbm>>) dst(%dma_wait3A_833 : memref<832x32xf32, #tpu.memory_space<vmem>>)
    %add3A_841 = arith.constant 10816 : i32
    %add3A_842 = arith.addi %mul3A_2, %add3A_841 : i32
    %dma_start3A_843 = arith.constant 1 : i32
    %dma_start3A_844 = arith.constant 1 : i32
    %dma_start3A_845 = arith.constant 0 : i32
    %dma_start3A_846 = arith.constant 0 : i32
    %dma_start3A_847 = tpu.memref_slice %arg6[%dma_start3A_843, %dma_start3A_845, %dma_start3A_846] : memref<4x832x32xf32, #tpu.memory_space<vmem>> -> memref<1x832x32xf32, #tpu.memory_space<vmem>>
    %dma_start3A_848 = tpu.memref_squeeze %dma_start3A_847 : memref<1x832x32xf32, #tpu.memory_space<vmem>> -> memref<832x32xf32, #tpu.memory_space<vmem>>
    %dma_start3A_849 = arith.constant 0 : i32
    %dma_start3A_850 = tpu.memref_slice %arg4[%add3A_842, %dma_start3A_849] : memref<425984x32xf32, #tpu.memory_space<hbm>> -> memref<832x32xf32, #tpu.memory_space<hbm>>
    %dma_start3A_851 = tpu.memref_slice %arg8[%dma_start3A_844] : memref<4x!tpu.dma_semaphore, #tpu.memory_space<semaphore_mem>> -> memref<1x!tpu.dma_semaphore, #tpu.memory_space<semaphore_mem>>
    %dma_start3A_852 = tpu.memref_squeeze %dma_start3A_851 : memref<1x!tpu.dma_semaphore, #tpu.memory_space<semaphore_mem>> -> memref<!tpu.dma_semaphore, #tpu.memory_space<semaphore_mem>>
    %dma_start3A_853 = arith.constant 0 : i32
    %dma_start3A_854 = tpu.memref_slice %arg4[%add3A_842, %dma_start3A_853] : memref<425984x32xf32, #tpu.memory_space<hbm>> -> memref<832x32xf32, #tpu.memory_space<hbm>>
    %dma_start3A_855 = arith.constant 0 : i32
    %dma_start3A_856 = arith.constant 0 : i32
    %dma_start3A_857 = tpu.memref_slice %arg6[%dma_start3A_843, %dma_start3A_855, %dma_start3A_856] : memref<4x832x32xf32, #tpu.memory_space<vmem>> -> memref<1x832x32xf32, #tpu.memory_space<vmem>>
    %dma_start3A_858 = tpu.memref_squeeze %dma_start3A_857 : memref<1x832x32xf32, #tpu.memory_space<vmem>> -> memref<832x32xf32, #tpu.memory_space<vmem>>
    tpu.enqueue_dma source(%dma_start3A_858 : memref<832x32xf32, #tpu.memory_space<vmem>>) target(%dma_start3A_854 : memref<832x32xf32, #tpu.memory_space<hbm>>) target_semaphore(%dma_start3A_852 : memref<!tpu.dma_semaphore, #tpu.memory_space<semaphore_mem>>)
    %dma_wait3A_859 = arith.constant 2 : i32
    %dma_wait3A_860 = arith.constant 2 : i32
    %dma_wait3A_861 = arith.constant 0 : i32
    %dma_wait3A_862 = arith.constant 0 : i32
    %dma_wait3A_863 = tpu.memref_slice %arg6[%dma_wait3A_859, %dma_wait3A_861, %dma_wait3A_862] : memref<4x832x32xf32, #tpu.memory_space<vmem>> -> memref<1x832x32xf32, #tpu.memory_space<vmem>>
    %dma_wait3A_864 = tpu.memref_squeeze %dma_wait3A_863 : memref<1x832x32xf32, #tpu.memory_space<vmem>> -> memref<832x32xf32, #tpu.memory_space<vmem>>
    %dma_wait3A_865 = arith.constant 11648 : i32
    %dma_wait3A_866 = tpu.memref_slice %arg5[%dma_wait3A_865] : memref<13312xi32, #tpu.memory_space<vmem>> -> memref<832xi32, #tpu.memory_space<vmem>>
    %dma_wait3A_867 = arith.constant 0 : i32
    %dma_wait3A_868 = arith.constant 0 : i32
    %dma_wait3A_869 = tpu.memref_slice %arg3[%dma_wait3A_867, %dma_wait3A_868] : memref<1000000x32xf32, #tpu.memory_space<hbm>> -> memref<1000000x32xf32, #tpu.memory_space<hbm>>
    %dma_wait3A_870 = tpu.memref_slice %arg7[%dma_wait3A_860] : memref<4x!tpu.dma_semaphore, #tpu.memory_space<semaphore_mem>> -> memref<1x!tpu.dma_semaphore, #tpu.memory_space<semaphore_mem>>
    %dma_wait3A_871 = tpu.memref_squeeze %dma_wait3A_870 : memref<1x!tpu.dma_semaphore, #tpu.memory_space<semaphore_mem>> -> memref<!tpu.dma_semaphore, #tpu.memory_space<semaphore_mem>>
    tpu.wait_indirect_dma semaphore(%dma_wait3A_871 : memref<!tpu.dma_semaphore, #tpu.memory_space<semaphore_mem>>) src(%dma_wait3A_869 : memref<1000000x32xf32, #tpu.memory_space<hbm>>) dst(%dma_wait3A_864 : memref<832x32xf32, #tpu.memory_space<vmem>>)
    %add3A_872 = arith.constant 11648 : i32
    %add3A_873 = arith.addi %mul3A_2, %add3A_872 : i32
    %dma_start3A_874 = arith.constant 2 : i32
    %dma_start3A_875 = arith.constant 2 : i32
    %dma_start3A_876 = arith.constant 0 : i32
    %dma_start3A_877 = arith.constant 0 : i32
    %dma_start3A_878 = tpu.memref_slice %arg6[%dma_start3A_874, %dma_start3A_876, %dma_start3A_877] : memref<4x832x32xf32, #tpu.memory_space<vmem>> -> memref<1x832x32xf32, #tpu.memory_space<vmem>>
    %dma_start3A_879 = tpu.memref_squeeze %dma_start3A_878 : memref<1x832x32xf32, #tpu.memory_space<vmem>> -> memref<832x32xf32, #tpu.memory_space<vmem>>
    %dma_start3A_880 = arith.constant 0 : i32
    %dma_start3A_881 = tpu.memref_slice %arg4[%add3A_873, %dma_start3A_880] : memref<425984x32xf32, #tpu.memory_space<hbm>> -> memref<832x32xf32, #tpu.memory_space<hbm>>
    %dma_start3A_882 = tpu.memref_slice %arg8[%dma_start3A_875] : memref<4x!tpu.dma_semaphore, #tpu.memory_space<semaphore_mem>> -> memref<1x!tpu.dma_semaphore, #tpu.memory_space<semaphore_mem>>
    %dma_start3A_883 = tpu.memref_squeeze %dma_start3A_882 : memref<1x!tpu.dma_semaphore, #tpu.memory_space<semaphore_mem>> -> memref<!tpu.dma_semaphore, #tpu.memory_space<semaphore_mem>>
    %dma_start3A_884 = arith.constant 0 : i32
    %dma_start3A_885 = tpu.memref_slice %arg4[%add3A_873, %dma_start3A_884] : memref<425984x32xf32, #tpu.memory_space<hbm>> -> memref<832x32xf32, #tpu.memory_space<hbm>>
    %dma_start3A_886 = arith.constant 0 : i32
    %dma_start3A_887 = arith.constant 0 : i32
    %dma_start3A_888 = tpu.memref_slice %arg6[%dma_start3A_874, %dma_start3A_886, %dma_start3A_887] : memref<4x832x32xf32, #tpu.memory_space<vmem>> -> memref<1x832x32xf32, #tpu.memory_space<vmem>>
    %dma_start3A_889 = tpu.memref_squeeze %dma_start3A_888 : memref<1x832x32xf32, #tpu.memory_space<vmem>> -> memref<832x32xf32, #tpu.memory_space<vmem>>
    tpu.enqueue_dma source(%dma_start3A_889 : memref<832x32xf32, #tpu.memory_space<vmem>>) target(%dma_start3A_885 : memref<832x32xf32, #tpu.memory_space<hbm>>) target_semaphore(%dma_start3A_883 : memref<!tpu.dma_semaphore, #tpu.memory_space<semaphore_mem>>)
    %dma_wait3A_890 = arith.constant 3 : i32
    %dma_wait3A_891 = arith.constant 3 : i32
    %dma_wait3A_892 = arith.constant 0 : i32
    %dma_wait3A_893 = arith.constant 0 : i32
    %dma_wait3A_894 = tpu.memref_slice %arg6[%dma_wait3A_890, %dma_wait3A_892, %dma_wait3A_893] : memref<4x832x32xf32, #tpu.memory_space<vmem>> -> memref<1x832x32xf32, #tpu.memory_space<vmem>>
    %dma_wait3A_895 = tpu.memref_squeeze %dma_wait3A_894 : memref<1x832x32xf32, #tpu.memory_space<vmem>> -> memref<832x32xf32, #tpu.memory_space<vmem>>
    %dma_wait3A_896 = arith.constant 12480 : i32
    %dma_wait3A_897 = tpu.memref_slice %arg5[%dma_wait3A_896] : memref<13312xi32, #tpu.memory_space<vmem>> -> memref<832xi32, #tpu.memory_space<vmem>>
    %dma_wait3A_898 = arith.constant 0 : i32
    %dma_wait3A_899 = arith.constant 0 : i32
    %dma_wait3A_900 = tpu.memref_slice %arg3[%dma_wait3A_898, %dma_wait3A_899] : memref<1000000x32xf32, #tpu.memory_space<hbm>> -> memref<1000000x32xf32, #tpu.memory_space<hbm>>
    %dma_wait3A_901 = tpu.memref_slice %arg7[%dma_wait3A_891] : memref<4x!tpu.dma_semaphore, #tpu.memory_space<semaphore_mem>> -> memref<1x!tpu.dma_semaphore, #tpu.memory_space<semaphore_mem>>
    %dma_wait3A_902 = tpu.memref_squeeze %dma_wait3A_901 : memref<1x!tpu.dma_semaphore, #tpu.memory_space<semaphore_mem>> -> memref<!tpu.dma_semaphore, #tpu.memory_space<semaphore_mem>>
    tpu.wait_indirect_dma semaphore(%dma_wait3A_902 : memref<!tpu.dma_semaphore, #tpu.memory_space<semaphore_mem>>) src(%dma_wait3A_900 : memref<1000000x32xf32, #tpu.memory_space<hbm>>) dst(%dma_wait3A_895 : memref<832x32xf32, #tpu.memory_space<vmem>>)
    %add3A_903 = arith.constant 12480 : i32
    %add3A_904 = arith.addi %mul3A_2, %add3A_903 : i32
    %dma_start3A_905 = arith.constant 3 : i32
    %dma_start3A_906 = arith.constant 3 : i32
    %dma_start3A_907 = arith.constant 0 : i32
    %dma_start3A_908 = arith.constant 0 : i32
    %dma_start3A_909 = tpu.memref_slice %arg6[%dma_start3A_905, %dma_start3A_907, %dma_start3A_908] : memref<4x832x32xf32, #tpu.memory_space<vmem>> -> memref<1x832x32xf32, #tpu.memory_space<vmem>>
    %dma_start3A_910 = tpu.memref_squeeze %dma_start3A_909 : memref<1x832x32xf32, #tpu.memory_space<vmem>> -> memref<832x32xf32, #tpu.memory_space<vmem>>
    %dma_start3A_911 = arith.constant 0 : i32
    %dma_start3A_912 = tpu.memref_slice %arg4[%add3A_904, %dma_start3A_911] : memref<425984x32xf32, #tpu.memory_space<hbm>> -> memref<832x32xf32, #tpu.memory_space<hbm>>
    %dma_start3A_913 = tpu.memref_slice %arg8[%dma_start3A_906] : memref<4x!tpu.dma_semaphore, #tpu.memory_space<semaphore_mem>> -> memref<1x!tpu.dma_semaphore, #tpu.memory_space<semaphore_mem>>
    %dma_start3A_914 = tpu.memref_squeeze %dma_start3A_913 : memref<1x!tpu.dma_semaphore, #tpu.memory_space<semaphore_mem>> -> memref<!tpu.dma_semaphore, #tpu.memory_space<semaphore_mem>>
    %dma_start3A_915 = arith.constant 0 : i32
    %dma_start3A_916 = tpu.memref_slice %arg4[%add3A_904, %dma_start3A_915] : memref<425984x32xf32, #tpu.memory_space<hbm>> -> memref<832x32xf32, #tpu.memory_space<hbm>>
    %dma_start3A_917 = arith.constant 0 : i32
    %dma_start3A_918 = arith.constant 0 : i32
    %dma_start3A_919 = tpu.memref_slice %arg6[%dma_start3A_905, %dma_start3A_917, %dma_start3A_918] : memref<4x832x32xf32, #tpu.memory_space<vmem>> -> memref<1x832x32xf32, #tpu.memory_space<vmem>>
    %dma_start3A_920 = tpu.memref_squeeze %dma_start3A_919 : memref<1x832x32xf32, #tpu.memory_space<vmem>> -> memref<832x32xf32, #tpu.memory_space<vmem>>
    tpu.enqueue_dma source(%dma_start3A_920 : memref<832x32xf32, #tpu.memory_space<vmem>>) target(%dma_start3A_916 : memref<832x32xf32, #tpu.memory_space<hbm>>) target_semaphore(%dma_start3A_914 : memref<!tpu.dma_semaphore, #tpu.memory_space<semaphore_mem>>)
    %add3A_921 = arith.constant 9984 : i32
    %add3A_922 = arith.addi %mul3A_2, %add3A_921 : i32
    %dma_wait3A_923 = arith.constant 0 : i32
    %dma_wait3A_924 = arith.constant 0 : i32
    %dma_wait3A_925 = arith.constant 0 : i32
    %dma_wait3A_926 = arith.constant 0 : i32
    %dma_wait3A_927 = tpu.memref_slice %arg6[%dma_wait3A_923, %dma_wait3A_925, %dma_wait3A_926] : memref<4x832x32xf32, #tpu.memory_space<vmem>> -> memref<1x832x32xf32, #tpu.memory_space<vmem>>
    %dma_wait3A_928 = tpu.memref_squeeze %dma_wait3A_927 : memref<1x832x32xf32, #tpu.memory_space<vmem>> -> memref<832x32xf32, #tpu.memory_space<vmem>>
    %dma_wait3A_929 = arith.constant 0 : i32
    %dma_wait3A_930 = tpu.memref_slice %arg4[%add3A_922, %dma_wait3A_929] : memref<425984x32xf32, #tpu.memory_space<hbm>> -> memref<832x32xf32, #tpu.memory_space<hbm>>
    %dma_wait3A_931 = tpu.memref_slice %arg8[%dma_wait3A_924] : memref<4x!tpu.dma_semaphore, #tpu.memory_space<semaphore_mem>> -> memref<1x!tpu.dma_semaphore, #tpu.memory_space<semaphore_mem>>
    %dma_wait3A_932 = tpu.memref_squeeze %dma_wait3A_931 : memref<1x!tpu.dma_semaphore, #tpu.memory_space<semaphore_mem>> -> memref<!tpu.dma_semaphore, #tpu.memory_space<semaphore_mem>>
    %dma_wait3A_933 = arith.constant 0 : i32
    %dma_wait3A_934 = tpu.memref_slice %arg4[%add3A_922, %dma_wait3A_933] : memref<425984x32xf32, #tpu.memory_space<hbm>> -> memref<832x32xf32, #tpu.memory_space<hbm>>
    %dma_wait3A_935 = arith.constant 0 : i32
    %dma_wait3A_936 = arith.constant 0 : i32
    %dma_wait3A_937 = tpu.memref_slice %arg6[%dma_wait3A_923, %dma_wait3A_935, %dma_wait3A_936] : memref<4x832x32xf32, #tpu.memory_space<vmem>> -> memref<1x832x32xf32, #tpu.memory_space<vmem>>
    %dma_wait3A_938 = tpu.memref_squeeze %dma_wait3A_937 : memref<1x832x32xf32, #tpu.memory_space<vmem>> -> memref<832x32xf32, #tpu.memory_space<vmem>>
    tpu.wait_dma2 semaphore(%dma_wait3A_932 : memref<!tpu.dma_semaphore, #tpu.memory_space<semaphore_mem>>) src(%dma_wait3A_938 : memref<832x32xf32, #tpu.memory_space<vmem>>) dst(%dma_wait3A_934 : memref<832x32xf32, #tpu.memory_space<hbm>>)
    %add3A_939 = arith.constant 10816 : i32
    %add3A_940 = arith.addi %mul3A_2, %add3A_939 : i32
    %dma_wait3A_941 = arith.constant 1 : i32
    %dma_wait3A_942 = arith.constant 1 : i32
    %dma_wait3A_943 = arith.constant 0 : i32
    %dma_wait3A_944 = arith.constant 0 : i32
    %dma_wait3A_945 = tpu.memref_slice %arg6[%dma_wait3A_941, %dma_wait3A_943, %dma_wait3A_944] : memref<4x832x32xf32, #tpu.memory_space<vmem>> -> memref<1x832x32xf32, #tpu.memory_space<vmem>>
    %dma_wait3A_946 = tpu.memref_squeeze %dma_wait3A_945 : memref<1x832x32xf32, #tpu.memory_space<vmem>> -> memref<832x32xf32, #tpu.memory_space<vmem>>
    %dma_wait3A_947 = arith.constant 0 : i32
    %dma_wait3A_948 = tpu.memref_slice %arg4[%add3A_940, %dma_wait3A_947] : memref<425984x32xf32, #tpu.memory_space<hbm>> -> memref<832x32xf32, #tpu.memory_space<hbm>>
    %dma_wait3A_949 = tpu.memref_slice %arg8[%dma_wait3A_942] : memref<4x!tpu.dma_semaphore, #tpu.memory_space<semaphore_mem>> -> memref<1x!tpu.dma_semaphore, #tpu.memory_space<semaphore_mem>>
    %dma_wait3A_950 = tpu.memref_squeeze %dma_wait3A_949 : memref<1x!tpu.dma_semaphore, #tpu.memory_space<semaphore_mem>> -> memref<!tpu.dma_semaphore, #tpu.memory_space<semaphore_mem>>
    %dma_wait3A_951 = arith.constant 0 : i32
    %dma_wait3A_952 = tpu.memref_slice %arg4[%add3A_940, %dma_wait3A_951] : memref<425984x32xf32, #tpu.memory_space<hbm>> -> memref<832x32xf32, #tpu.memory_space<hbm>>
    %dma_wait3A_953 = arith.constant 0 : i32
    %dma_wait3A_954 = arith.constant 0 : i32
    %dma_wait3A_955 = tpu.memref_slice %arg6[%dma_wait3A_941, %dma_wait3A_953, %dma_wait3A_954] : memref<4x832x32xf32, #tpu.memory_space<vmem>> -> memref<1x832x32xf32, #tpu.memory_space<vmem>>
    %dma_wait3A_956 = tpu.memref_squeeze %dma_wait3A_955 : memref<1x832x32xf32, #tpu.memory_space<vmem>> -> memref<832x32xf32, #tpu.memory_space<vmem>>
    tpu.wait_dma2 semaphore(%dma_wait3A_950 : memref<!tpu.dma_semaphore, #tpu.memory_space<semaphore_mem>>) src(%dma_wait3A_956 : memref<832x32xf32, #tpu.memory_space<vmem>>) dst(%dma_wait3A_952 : memref<832x32xf32, #tpu.memory_space<hbm>>)
    %add3A_957 = arith.constant 11648 : i32
    %add3A_958 = arith.addi %mul3A_2, %add3A_957 : i32
    %dma_wait3A_959 = arith.constant 2 : i32
    %dma_wait3A_960 = arith.constant 2 : i32
    %dma_wait3A_961 = arith.constant 0 : i32
    %dma_wait3A_962 = arith.constant 0 : i32
    %dma_wait3A_963 = tpu.memref_slice %arg6[%dma_wait3A_959, %dma_wait3A_961, %dma_wait3A_962] : memref<4x832x32xf32, #tpu.memory_space<vmem>> -> memref<1x832x32xf32, #tpu.memory_space<vmem>>
    %dma_wait3A_964 = tpu.memref_squeeze %dma_wait3A_963 : memref<1x832x32xf32, #tpu.memory_space<vmem>> -> memref<832x32xf32, #tpu.memory_space<vmem>>
    %dma_wait3A_965 = arith.constant 0 : i32
    %dma_wait3A_966 = tpu.memref_slice %arg4[%add3A_958, %dma_wait3A_965] : memref<425984x32xf32, #tpu.memory_space<hbm>> -> memref<832x32xf32, #tpu.memory_space<hbm>>
    %dma_wait3A_967 = tpu.memref_slice %arg8[%dma_wait3A_960] : memref<4x!tpu.dma_semaphore, #tpu.memory_space<semaphore_mem>> -> memref<1x!tpu.dma_semaphore, #tpu.memory_space<semaphore_mem>>
    %dma_wait3A_968 = tpu.memref_squeeze %dma_wait3A_967 : memref<1x!tpu.dma_semaphore, #tpu.memory_space<semaphore_mem>> -> memref<!tpu.dma_semaphore, #tpu.memory_space<semaphore_mem>>
    %dma_wait3A_969 = arith.constant 0 : i32
    %dma_wait3A_970 = tpu.memref_slice %arg4[%add3A_958, %dma_wait3A_969] : memref<425984x32xf32, #tpu.memory_space<hbm>> -> memref<832x32xf32, #tpu.memory_space<hbm>>
    %dma_wait3A_971 = arith.constant 0 : i32
    %dma_wait3A_972 = arith.constant 0 : i32
    %dma_wait3A_973 = tpu.memref_slice %arg6[%dma_wait3A_959, %dma_wait3A_971, %dma_wait3A_972] : memref<4x832x32xf32, #tpu.memory_space<vmem>> -> memref<1x832x32xf32, #tpu.memory_space<vmem>>
    %dma_wait3A_974 = tpu.memref_squeeze %dma_wait3A_973 : memref<1x832x32xf32, #tpu.memory_space<vmem>> -> memref<832x32xf32, #tpu.memory_space<vmem>>
    tpu.wait_dma2 semaphore(%dma_wait3A_968 : memref<!tpu.dma_semaphore, #tpu.memory_space<semaphore_mem>>) src(%dma_wait3A_974 : memref<832x32xf32, #tpu.memory_space<vmem>>) dst(%dma_wait3A_970 : memref<832x32xf32, #tpu.memory_space<hbm>>)
    %add3A_975 = arith.constant 12480 : i32
    %add3A_976 = arith.addi %mul3A_2, %add3A_975 : i32
    %dma_wait3A_977 = arith.constant 3 : i32
    %dma_wait3A_978 = arith.constant 3 : i32
    %dma_wait3A_979 = arith.constant 0 : i32
    %dma_wait3A_980 = arith.constant 0 : i32
    %dma_wait3A_981 = tpu.memref_slice %arg6[%dma_wait3A_977, %dma_wait3A_979, %dma_wait3A_980] : memref<4x832x32xf32, #tpu.memory_space<vmem>> -> memref<1x832x32xf32, #tpu.memory_space<vmem>>
    %dma_wait3A_982 = tpu.memref_squeeze %dma_wait3A_981 : memref<1x832x32xf32, #tpu.memory_space<vmem>> -> memref<832x32xf32, #tpu.memory_space<vmem>>
    %dma_wait3A_983 = arith.constant 0 : i32
    %dma_wait3A_984 = tpu.memref_slice %arg4[%add3A_976, %dma_wait3A_983] : memref<425984x32xf32, #tpu.memory_space<hbm>> -> memref<832x32xf32, #tpu.memory_space<hbm>>
    %dma_wait3A_985 = tpu.memref_slice %arg8[%dma_wait3A_978] : memref<4x!tpu.dma_semaphore, #tpu.memory_space<semaphore_mem>> -> memref<1x!tpu.dma_semaphore, #tpu.memory_space<semaphore_mem>>
    %dma_wait3A_986 = tpu.memref_squeeze %dma_wait3A_985 : memref<1x!tpu.dma_semaphore, #tpu.memory_space<semaphore_mem>> -> memref<!tpu.dma_semaphore, #tpu.memory_space<semaphore_mem>>
    %dma_wait3A_987 = arith.constant 0 : i32
    %dma_wait3A_988 = tpu.memref_slice %arg4[%add3A_976, %dma_wait3A_987] : memref<425984x32xf32, #tpu.memory_space<hbm>> -> memref<832x32xf32, #tpu.memory_space<hbm>>
    %dma_wait3A_989 = arith.constant 0 : i32
    %dma_wait3A_990 = arith.constant 0 : i32
    %dma_wait3A_991 = tpu.memref_slice %arg6[%dma_wait3A_977, %dma_wait3A_989, %dma_wait3A_990] : memref<4x832x32xf32, #tpu.memory_space<vmem>> -> memref<1x832x32xf32, #tpu.memory_space<vmem>>
    %dma_wait3A_992 = tpu.memref_squeeze %dma_wait3A_991 : memref<1x832x32xf32, #tpu.memory_space<vmem>> -> memref<832x32xf32, #tpu.memory_space<vmem>>
    tpu.wait_dma2 semaphore(%dma_wait3A_986 : memref<!tpu.dma_semaphore, #tpu.memory_space<semaphore_mem>>) src(%dma_wait3A_992 : memref<832x32xf32, #tpu.memory_space<vmem>>) dst(%dma_wait3A_988 : memref<832x32xf32, #tpu.memory_space<hbm>>)
    return
  }
}

</mosaic_0001>

<sc_bundles>
// kernel: kernel.3.cloned.1.call-start
scs
__scs_entry_jumppad:
0x0: {  	(pc) =	sbr.rel $0x88, $3  }
0x1: {  	(tag) =	ssettag $0x0;
	lr =	simm.s32 $0x1  }
0x2: {  	[smem:$0x3F9F] =	sst lr;
	_ =	strace $0xD0000000  }
0x3: {  	_ = 	snop  }
0x4: {  	_ = 	snop  }
0x5: {  	_ = 	snop  }
0x6: {  	_ = 	snop  }
0x7: {  	_ = 	snop  }
__scs_overlays_trampoline_lowered:
0x8: {  	[smem:$0x3FAE] =	sst s0  }
0x9: {  	[smem:$0x3FAF] =	sst s1  }
0xa: {  	[smem:$0x3FB0] =	sst s2  }
0xb: {  	[smem:$0x3FB1] =	sst s3  }
0xc: {  	[smem:$0x3FB2] =	sst s4  }
0xd: {  	[smem:$0x3FB3] =	sst s5  }
0xe: {  	[smem:$0x3FB4] =	sst s6  }
0xf: {  	[smem:$0x3FB5] =	sst s7  }
0x10: {  	[smem:$0x3FB6] =	sst s8  }
0x11: {  	[smem:$0x3FB7] =	sst s9;
	s0 =	simm.s32 @!p0 $0x0  }
0x12: {  	s1 =	sld [smem:$0x3F9D];
	s0 =	simm.s32 @p0 $0x1  }
0x13: {  	[smem:$0x3FB8] =	sst s0;
	s0 =	simm.s32 @!p1 $0x0  }
0x14: {  	s2 =	sld [smem:$0x3F9C];
	s0 =	simm.s32 @p1 $0x1  }
0x15: {  	[smem:$0x3FB9] =	sst s0;
	s0 =	simm.s32 @!p2 $0x0  }
0x16: {  	s3 =	sld [smem:$0x3FDB];
	s0 =	simm.s32 @p2 $0x1  }
0x17: {  	s4 =	simm.s32 $0x1BF5;
	[smem:$0x3FBB] =	sst s0  }
0x18: {  	s0 =	sld [smem:$0x3F9E];
	_ =	swait.ge [sflag:s4], $0x0  }
0x19: {  	s7 =	sld [smem:$0x3F9F]  }
0x1a: {  	s8 =	sadd.s32 $0xFFFFE003, lr  }
0x1b: {  	s9 =	sadd.s32 $0xFFFFFEF7, lr;
	s5 =	simm.s32 $0xFFFFFFFF;
	p2 =	slt.u32 s8, $0xFFFFF086  }
0x1c: {  	p1 =	slt.u32 s9, $0xF7A;
	s5 =	simm.s32 @!p2 $0x0  }
0x1d: {  	s5 =	simm.s32 @p1 $0x1;
	p0 =	seq.s32 s7, s2  }
0x1e: {  	s7 =	smul.u32 @!p0 $0xF7A, s2;
	p2 =	seq.s32 @!p0 s5, $0x0  }
0x1f: {  	s9 =	smul.u32 $0xF7A, s1;
	s8 =	simm.s32 @!p0 $0x1BF5;
	p2 =	por !p2, p0  }
0x20: {  	[sflag:s8] =	ssyncset.s32 @!p0 $0xFFFFF086;
	s6 =	sadd.s32 @!p0 s3, s7;
	s7 =	simm.s32 @!p0 $0x108  }
0x21: {  	s3 =	sadd.s32 s3, s9;
	s6 =	sadd.s32 @!p0 $0x88, s6;
	s7 =	simm.s32 @p2 $0x1082  }
0x22: {  	[simem:s7], [sflag:s8] =	dma.local @!p0 [hbm:s6], $0xF7A  }
0x23: {  	s9 =	sor.u32 $0xD0000000, s2;
	s6 =	simm.s32 $0x108;
	_ =	swait.ge @!p0 [sflag:s8], $0x0  }
0x24: {  	s3 =	sadd.s32 $0x88, s3;
	s6 =	simm.s32 @!p1 $0x1082;
	[sflag:s4] =	ssyncset.s32 $0xFFFFF086  }
0x25: {  	[simem:s6], [sflag:s4] =	dma.local [hbm:s3], $0xF7A  }
0x26: {  	[smem:$0x3F9F] =	sst s1;
	(tag) =	ssettag s2;
	_ =	strace s9  }
0x27: {  	s1 =	sld [smem:$0x3FAF]  }
0x28: {  	s2 =	sld [smem:$0x3FB0]  }
0x29: {  	s4 =	sld [smem:$0x3FB2]  }
0x2a: {  	p0 =	seq.s32 s5, $0x0;
	s5 =	sld [smem:$0x3FB3]  }
0x2b: {  	s6 =	sld [smem:$0x3FB4]  }
0x2c: {  	s7 =	sld [smem:$0x3FB5]  }
0x2d: {  	s3 =	simm.s32 $0x108;
	s8 =	sld [smem:$0x3FB6]  }
0x2e: {  	s3 =	simm.s32 @!p0 $0x1082;
	s9 =	sld [smem:$0x3FB7]  }
0x2f: {  	lr =	sadd.s32 s0, s3;
	s0 =	sld [smem:$0x3FAE]  }
0x30: {  	s3 =	sld [smem:$0x3FB1]  }
0x31: {  	[smem:$0x3FBA] =	sst s10  }
0x32: {  	s10 =	sld [smem:$0x3FB8];
	_ =	sdelay $0x3  }
0x33: {  	p0 =	seq.s32 s10, $0x1;
	s10 =	sld [smem:$0x3FBA];
	_ =	sdelay $0x3  }
0x34: {  	[smem:$0x3FBA] =	sst s10  }
0x35: {  	s10 =	sld [smem:$0x3FB9];
	_ =	sdelay $0x3  }
0x36: {  	p1 =	seq.s32 s10, $0x1;
	s10 =	sld [smem:$0x3FBA];
	_ =	sdelay $0x3  }
0x37: {  	[smem:$0x3FBA] =	sst s10  }
0x38: {  	s10 =	sld [smem:$0x3FBB]  }
0x39: {  	_ = 	snop;
	(pc) =	sbr.ind lr, $3  }
0x3a: {  	_ = 	snop  }
0x3b: {  	_ = 	snop  }
0x3c: {  	p2 =	seq.s32 s10, $0x1;
	s10 =	sld [smem:$0x3FBA]  }
0x3d: {  	_ =	shalt  }
0x3e: {  	_ =	shalt  }
0x3f: {  	_ =	shalt  }
0x40: {  	_ =	shalt  }
0x41: {  	_ =	shalt  }
0x42: {  	_ =	shalt  }
0x43: {  	_ =	shalt  }
0x44: {  	_ =	shalt  }
0x45: {  	_ =	shalt  }
0x46: {  	_ =	shalt  }
0x47: {  	_ =	shalt  }
0x48: {  	_ =	shalt  }
0x49: {  	_ =	shalt  }
0x4a: {  	_ =	shalt  }
0x4b: {  	_ =	shalt  }
0x4c: {  	_ =	shalt  }
0x4d: {  	_ =	shalt  }
0x4e: {  	_ =	shalt  }
0x4f: {  	_ =	shalt  }
0x50: {  	_ =	shalt  }
0x51: {  	_ =	shalt  }
0x52: {  	_ =	shalt  }
0x53: {  	_ =	shalt  }
0x54: {  	_ =	shalt  }
0x55: {  	_ =	shalt  }
0x56: {  	_ =	shalt  }
0x57: {  	_ =	shalt  }
0x58: {  	_ =	shalt  }
0x59: {  	_ =	shalt  }
0x5a: {  	_ =	shalt  }
0x5b: {  	_ =	shalt  }
0x5c: {  	_ =	shalt  }
0x5d: {  	_ =	shalt  }
0x5e: {  	_ =	shalt  }
0x5f: {  	_ =	shalt  }
0x60: {  	_ =	shalt  }
0x61: {  	_ =	shalt  }
0x62: {  	_ =	shalt  }
0x63: {  	_ =	shalt  }
0x64: {  	_ =	shalt  }
0x65: {  	_ =	shalt  }
0x66: {  	_ =	shalt  }
0x67: {  	_ =	shalt  }
0x68: {  	_ =	shalt  }
0x69: {  	_ =	shalt  }
0x6a: {  	_ =	shalt  }
0x6b: {  	_ =	shalt  }
0x6c: {  	_ =	shalt  }
0x6d: {  	_ =	shalt  }
0x6e: {  	_ =	shalt  }
0x6f: {  	_ =	shalt  }
0x70: {  	_ =	shalt  }
0x71: {  	_ =	shalt  }
0x72: {  	_ =	shalt  }
0x73: {  	_ =	shalt  }
0x74: {  	_ =	shalt  }
0x75: {  	_ =	shalt  }
0x76: {  	_ =	shalt  }
0x77: {  	_ =	shalt  }
0x78: {  	_ =	shalt  }
0x79: {  	_ =	shalt  }
0x7a: {  	_ =	shalt  }
0x7b: {  	_ =	shalt  }
0x7c: {  	_ =	shalt  }
0x7d: {  	_ =	shalt  }
0x7e: {  	_ =	shalt  }
0x7f: {  	_ =	shalt  }
0x80: {  	_ =	shalt  }
0x81: {  	_ =	shalt  }
0x82: {  	_ =	shalt  }
0x83: {  	_ =	shalt  }
0x84: {  	_ =	shalt  }
0x85: {  	_ =	shalt  }
0x86: {  	_ =	shalt  }
0x87: {  	_ =	shalt  }
.Lfunc_end0:
.L_simem_size_0:
called_computation.1_lowered:
.L_overlay_start_0:
0x88: {  	s2 =	sld [smem:$0x3FD9]  }
0x89: {  	s3 =	sld [smem:$0x3FFE];
	_ =	sdelay $0x1  }
0x8a: {  	s1 =	srdreg.scid  }
0x8b: {  	s0 =	sand.u32 $0x1, s1  }
0x8c: {  	s17 =	sshll.u32 s0, $0xA;
	s2 =	sadd.s32 s3, s2  }
0x8d: {  	s2 =	sadd.s32 s2, s17  }
0x8e: {  	[smem:$0x3FC6] =	sst s2  }
0x8f: {  	_ = 	snop  }
0x90: {  	s2 =	sld [smem:$0x3FD0];
	(tm) =	ssettm $0x1  }
0x91: {  	s18 =	sld [smem:$0x3FFB];
	_ =	sdelay $0x3  }
0x92: {  	_ =	strace s18  }
0x93: {  	s3 =	sld [smem:$0x3FFC];
	_ =	sdelay $0x3  }
0x94: {  	_ =	strace s3  }
0x95: {  	s3 =	sld [smem:$0x3FFD];
	_ =	sdelay $0x3  }
0x96: {  	_ =	strace s3  }
0x97: {  	_ =	strace $0x8FFFFFFF  }
0x98: {  	s19 =	sld [smem:$0x3FDB];
	_ =	sdelay $0x1  }
0x99: {  	s4 =	simm.s32 $_scs_section_size  }
0x9a: {  	s5 =	simm.s32 $_size__tile_overlayer_lowered;
	s6 =	simm.s32 $_tile_overlayer_lowered  }
0x9b: {  	s22 =	simm.s32 $0x1BFF;
	s21 =	sshll.u32 s6, $0x1;
	s3 =	sadd.s32 s4, s19  }
0x9c: {  	s7 =	simm.s32 $0x0;
	s20 =	sshll.u32 s5, $0x1;
	s5 =	sadd.s32 s21, s3  }
0x9d: {  	[timem:s7], [sflag:s22] =	dma.local [hbm:s5], s20  }
0x9e: {  	_ =	swait.ge [sflag:s22], s20  }
0x9f: {  	s4 =	ssub.s32 $0x0, s20;
	[sflag:s22] =	ssyncset.done $0x0  }
0xa0: {  	[sflag:s22] =	ssyncadd.s32 s4;
	_ =	sdelay $0x1  }
0xa1: {  	s23 =	simm.s32 $0x1B8B  }
0xa2: {  	_ =	swait.ge [sflag:s23], $0x1  }
0xa3: {  	[sflag:s23] =	ssyncset.done $0x0  }
0xa4: {  	s25 =	simm.s32 $0x1B8E;
	s24 =	sld [smem:$0x3FFE];
	[sflag:s23] =	ssyncadd.s32 $0xFFFFFFFF  }
0xa5: {  	s26 =	simm.s32 $execute0_lowered;
	[smem:$0x3FD2] =	sst s25  }
0xa6: {  	s5 =	sshll.u32 s26, $0x1;
	_ =	strace $0x80000046;
	[dreg:$0x1] =	wrdreg $0xFFFFFFFF  }
0xa7: {  	s28 =	simm.s32 $_size_execute0_lowered;
	s3 =	sadd.s32 s3, s5;
	[dreg:$0x0] =	wrdreg $0x0  }
0xa8: {  	s5 =	sshll.u32 s28, $0x1;
	[dreg:$0x2] =	wrdreg s3  }
0xa9: {  	[dreg:$0x3] =	wrdreg s5  }
0xaa: {  	[dreg:$0x4] =	wrdreg $0xC0  }
0xab: {  	_ =	task [dreg:s7], $0x5FFFF  }
0xac: {  	[dreg:$0x1] =	wrdreg $0xFFFFFFFF  }
0xad: {  	[dreg:$0x0] =	wrdreg $0x60  }
0xae: {  	[dreg:$0x2] =	wrdreg s24  }
0xaf: {  	[dreg:$0x3] =	wrdreg s2  }
0xb0: {  	[dreg:$0x4] =	wrdreg $0x9  }
0xb1: {  	_ =	task.clear_ibuf [dreg:s7], $0x5FFFF;
	_ =	strace $0x90000046  }
0xb2: {  	s29 =	simm.s32 $0x9;
	_ =	strace $0x80000048  }
0xb3: {  	_ =	swait.ge [sflag:s29], $0x1  }
0xb4: {  	[sflag:s29] =	ssyncadd.s32 $0xFFFFFFFF  }
0xb5: {  	_ =	strace $0x90000048  }
0xb6: {  	_ =	sfence  }
0xb7: {  	s30 =	sld [smem:$0x0];
	_ =	sdelay $0x2  }
0xb8: {  	s31 =	sshll.u32 s1, $0xD;
	s1 =	sshrl.u32 s1, $0x2  }
0xb9: {  	s3 =	sand.u32 $0x4000, s31;
	s1 =	sadd.s32 s1, s30  }
0xba: {  	s0 =	sor.u32 s3, s0;
	s1 =	sshll.u32 s1, $0x11  }
0xbb: {  	s0 =	sor.u32 s1, s0  }
0xbc: {  	s0 =	sadd.s32 $0x8F2B, s0  }
0xbd: {  	[sflag:s0] =	ssyncadd.remote.s32 $0x1  }
0xbe: {  	_ =	sfence.sel $0xFFFF  }
0xbf: {  	[dreg:$0x0] =	wrdreg $0xFFFFFFFF;
	(pc) =	sbr.abs _section_cstart, $3  }
0xc0: {  	[dreg:$0x1] =	wrdreg $0xFFFFFFFF  }
0xc1: {  	_ =	task.clear_ibuf [dreg:s7], $0x2FFFF;
	_ =	strace $0x9FFFFFFF  }
0xc2: {  	(tm) =	ssettm $0x7FFFFFFF  }
0xc3: {  	_ =	shalt  }
tec
execute0_lowered:
.L_overlay_start_1:
0x0: {  	(tag) =	ssettag $0x1  }
0x1: {  	s0 =	srdreg.scid;
	s3 =	rddreg [dreg:$0x0]  }
0x2: {  	s17 =	stileid.u32;
	s4 =	rddreg [dreg:$0x1]  }
0x3: {  	s2 =	simm.s32 $0x0;
	s0 =	sand.u32 $0x1, s0;
	s1 =	sshll.u32 s17, $0x1  }
0x4: {  	s31 =	simm.s32 $0x9;
	s25 =	simm.s32 $0x680;
	s1 =	sor.u32 s0, s1  }
0x5: {  	s26 =	simm.s32 $0x9C0;
	s8 =	simm.s32 $0x16C00;
	s5 =	smul.u32 $0x680, s1  }
0x6: {  	s30 =	simm.s32 $0x1040;
	[smem:$0x7FF] =	sst s2;
	s6 =	smul.u32 $0xD000, s1  }
0x7: {  	_ =	strace $0x80000047;
	[dreg:$0x13] =	wrdreg s25;
	s1 =	smul.u32 $0x68000, s1  }
0x8: {  	s29 =	simm.s32 $0x1380;
	[dreg:$0x14] =	wrdreg s26;
	s5 =	sadd.s32 s5, s3  }
0x9: {  	s21 =	sadd.s32 s4, s6;
	s1 =	sshrl.u32 s1, $0x3;
	s5 =	sadd.s32 $0xA00, s5  }
0xa: {  	s9 =	sadd.s32 $0xD00, s21;
	s1 =	sadd.s32 s4, s1;
	[dreg:$0x3] =	wrdreg s5  }
0xb: {  	s7 =	simm.s32 $0x8;
	[dreg:$0x4] =	wrdreg s9;
	s4 =	sadd.s32 $0x1A00, s1  }
0xc: {  	s28 =	simm.s32 $0x16C0;
	s10 =	sadd.s32 $0x2700, s1;
	[dreg:$0x5] =	wrdreg s4  }
0xd: {  	p0 =	por $0x0, $0x0;
	s11 =	sadd.s32 $0x3400, s1;
	[dreg:$0x6] =	wrdreg s10  }
0xe: {  	s0 =	ssub.s32 $0x2, s0;
	s12 =	sadd.s32 $0x4100, s1;
	[dreg:$0x7] =	wrdreg s11  }
0xf: {  	s26 =	simm.s32 $0x1A00;
	s13 =	sadd.s32 $0x4E00, s1;
	[dreg:$0x8] =	wrdreg s12  }
0x10: {  	s25 =	simm.s32 $0x1D40;
	s14 =	sadd.s32 $0x5B00, s1;
	[dreg:$0x9] =	wrdreg s13  }
0x11: {  	s23 =	sshrl.u32 s0, $0x1;
	s15 =	sadd.s32 $0x6800, s1;
	[dreg:$0xa] =	wrdreg s14  }
0x12: {  	s0 =	ssub.s32 s0, s23;
	s16 =	sadd.s32 $0x7500, s1;
	[dreg:$0xb] =	wrdreg s15  }
0x13: {  	s23 =	simm.s32 $0x23C0;
	s18 =	sadd.s32 $0x8200, s1;
	[dreg:$0xc] =	wrdreg s16  }
0x14: {  	s3 =	sadd.s32 $0xF42E00, s3;
	s19 =	sadd.s32 $0x8F00, s1;
	[dreg:$0xd] =	wrdreg s18  }
0x15: {  	s0 =	smax.u32 s0, $0x1;
	s20 =	sadd.s32 $0x9C00, s1;
	[dreg:$0xe] =	wrdreg s19  }
0x16: {  	s6 =	simm.s32 $0x7;
	s22 =	sadd.s32 $0xA900, s1;
	[dreg:$0xf] =	wrdreg s20  }
0x17: {  	p1 =	sne.s32 s0, $0x1;
	s24 =	sadd.s32 $0xB600, s1;
	[dreg:$0x10] =	wrdreg s22  }
0x18: {  	s1 =	sadd.s32 $0xC300, s1;
	s9 =	simm.s32 $0x10400;
	[dreg:$0x11] =	wrdreg s24  }
0x19: {  	s5 =	simm.s32 $0x6;
	[dreg:$0x12] =	wrdreg s1;
	s13 =	simm.s32 $0x340  }
.Ltmp0:
0x1a: {  	s11 =	simm.s32 $0x3400;
	s10 =	simm.s32 $0x9C00;
	(pc) =	sbr.rel @!p1 .LBB2_1-.Ltmp0, $4  }
0x1b: {  	s16 =	simm.s32 $0x1;
	s4 =	simm.s32 $0x5;
	s15 =	simm.s32 $0x2  }
0x1c: {  	s14 =	simm.s32 $0x3;
	s12 =	simm.s32 $0x4;
	s1 =	sadd.s32 $0xFFFFFFFF, s0  }
0x1d: {  	s24 =	simm.s32 $0x2080;
	s22 =	simm.s32 $0x2700;
	s20 =	simm.s32 $0x2A40  }
0x1e: {  	s19 =	simm.s32 $0x2D80;
	s18 =	simm.s32 $0x30C0;
	s0 =	rddreg [dreg:$0x3]  }
0x1f: {  	[tilespmem:s2], [sflag:$0x9] =	stream.linear.gather [hbm4b:s0+s2], $0x3400, $0x38;
	[tilespmem:$0x1D400] =	vst v63  }
0x20: {  	_ =	swait.ge [sflag:s31], $0x3400  }
0x21: {  	[sflag:s31] =	ssyncset.done $0x0  }
0x22: {  	[sflag:s31] =	ssyncadd.s32 $0xFFFFCC00  }
0x23: {  	[tilespmem:s11], [sflag:$0x1] =	stream.indirect.gather [hbm4b:s3+s13], $0x20, s2, s13, $0xb8;
	[tilespmem:$0x1D400] =	vst v63  }
0x24: {  	_ = 	snop  }
0x25: {  	[tilespmem:s10], [sflag:$0x2] =	stream.indirect.gather [hbm4b:s3+s13], $0x20, s13, s13, $0xb8;
	[tilespmem:$0x1D400] =	vst v63  }
0x26: {  	s0 =	rddreg [dreg:$0x13]  }
0x27: {  	[tilespmem:s9], [sflag:$0x3] =	stream.indirect.gather [hbm4b:s3+s13], $0x20, s0, s13, $0xb8;
	[tilespmem:$0x1D400] =	vst v63  }
0x28: {  	s17 =	smov.u32 s1;
	s1 =	rddreg [dreg:$0x14]  }
0x29: {  	[tilespmem:s8], [sflag:$0x4] =	stream.indirect.gather [hbm4b:s3+s13], $0x20, s1, s13, $0xb8;
	[tilespmem:$0x1D400] =	vst v63  }
0x2a: {  	_ =	swait.ge [sflag:s16], $0x6800  }
0x2b: {  	[sflag:s16] =	ssyncset.done $0x0  }
0x2c: {  	[sflag:s16] =	ssyncadd.s32 $0xFFFF9800  }
0x2d: {  	[hbm4b:s21+s2] =	stream.linear.scatter [tilespmem:s11], [sflag:$0x5], $0x6800, $0x38;
	[tilespmem:$0x1D400] =	vst v63  }
0x2e: {  	_ =	swait.ge [sflag:s4], $0x6800  }
0x2f: {  	[sflag:s4] =	ssyncset.done $0x0  }
0x30: {  	s1 =	simm.s32 $0xD00;
	[sflag:s4] =	ssyncadd.s32 $0xFFFF9800  }
0x31: {  	[tilespmem:s11], [sflag:$0x1] =	stream.indirect.gather [hbm4b:s3+s13], $0x20, s1, s13, $0xb8;
	[tilespmem:$0x1D400] =	vst v63  }
0x32: {  	_ =	swait.ge [sflag:s15], $0x6800  }
0x33: {  	[sflag:s15] =	ssyncset.done $0x0  }
0x34: {  	s1 =	rddreg [dreg:$0x4];
	[sflag:s15] =	ssyncadd.s32 $0xFFFF9800  }
0x35: {  	[hbm4b:s1+s2] =	stream.linear.scatter [tilespmem:s10], [sflag:$0x6], $0x6800, $0x38;
	[tilespmem:$0x1D400] =	vst v63  }
0x36: {  	_ =	swait.ge [sflag:s5], $0x6800  }
0x37: {  	[sflag:s5] =	ssyncset.done $0x0  }
0x38: {  	[sflag:s5] =	ssyncadd.s32 $0xFFFF9800  }
0x39: {  	[tilespmem:s10], [sflag:$0x2] =	stream.indirect.gather [hbm4b:s3+s13], $0x20, s30, s13, $0xb8;
	[tilespmem:$0x1D400] =	vst v63  }
0x3a: {  	_ =	swait.ge [sflag:s14], $0x6800  }
0x3b: {  	[sflag:s14] =	ssyncset.done $0x0  }
0x3c: {  	s1 =	rddreg [dreg:$0x5];
	[sflag:s14] =	ssyncadd.s32 $0xFFFF9800  }
0x3d: {  	[hbm4b:s1+s2] =	stream.linear.scatter [tilespmem:s9], [sflag:$0x7], $0x6800, $0x38;
	[tilespmem:$0x1D400] =	vst v63  }
0x3e: {  	_ =	swait.ge [sflag:s6], $0x6800  }
0x3f: {  	[sflag:s6] =	ssyncset.done $0x0  }
0x40: {  	[sflag:s6] =	ssyncadd.s32 $0xFFFF9800  }
0x41: {  	[tilespmem:s9], [sflag:$0x3] =	stream.indirect.gather [hbm4b:s3+s13], $0x20, s29, s13, $0xb8;
	[tilespmem:$0x1D400] =	vst v63  }
0x42: {  	_ =	swait.ge [sflag:s12], $0x6800  }
0x43: {  	[sflag:s12] =	ssyncset.done $0x0  }
0x44: {  	s1 =	rddreg [dreg:$0x6];
	[sflag:s12] =	ssyncadd.s32 $0xFFFF9800  }
0x45: {  	[hbm4b:s1+s2] =	stream.linear.scatter [tilespmem:s8], [sflag:$0x8], $0x6800, $0x38;
	[tilespmem:$0x1D400] =	vst v63  }
0x46: {  	_ =	swait.ge [sflag:s7], $0x6800  }
0x47: {  	[sflag:s7] =	ssyncset.done $0x0  }
0x48: {  	[sflag:s7] =	ssyncadd.s32 $0xFFFF9800  }
0x49: {  	[tilespmem:s8], [sflag:$0x4] =	stream.indirect.gather [hbm4b:s3+s13], $0x20, s28, s13, $0xb8;
	[tilespmem:$0x1D400] =	vst v63  }
0x4a: {  	_ =	swait.ge [sflag:s16], $0x6800  }
0x4b: {  	[sflag:s16] =	ssyncset.done $0x0  }
0x4c: {  	s1 =	rddreg [dreg:$0x7];
	[sflag:s16] =	ssyncadd.s32 $0xFFFF9800  }
0x4d: {  	[hbm4b:s1+s2] =	stream.linear.scatter [tilespmem:s11], [sflag:$0x5], $0x6800, $0x38;
	[tilespmem:$0x1D400] =	vst v63  }
0x4e: {  	_ =	swait.ge [sflag:s4], $0x6800  }
0x4f: {  	[sflag:s4] =	ssyncset.done $0x0  }
0x50: {  	[sflag:s4] =	ssyncadd.s32 $0xFFFF9800  }
0x51: {  	[tilespmem:s11], [sflag:$0x1] =	stream.indirect.gather [hbm4b:s3+s13], $0x20, s26, s13, $0xb8;
	[tilespmem:$0x1D400] =	vst v63  }
0x52: {  	_ =	swait.ge [sflag:s15], $0x6800  }
0x53: {  	[sflag:s15] =	ssyncset.done $0x0  }
0x54: {  	s1 =	rddreg [dreg:$0x8];
	[sflag:s15] =	ssyncadd.s32 $0xFFFF9800  }
0x55: {  	[hbm4b:s1+s2] =	stream.linear.scatter [tilespmem:s10], [sflag:$0x6], $0x6800, $0x38;
	[tilespmem:$0x1D400] =	vst v63  }
0x56: {  	_ =	swait.ge [sflag:s5], $0x6800  }
0x57: {  	[sflag:s5] =	ssyncset.done $0x0  }
0x58: {  	[sflag:s5] =	ssyncadd.s32 $0xFFFF9800  }
0x59: {  	[tilespmem:s10], [sflag:$0x2] =	stream.indirect.gather [hbm4b:s3+s13], $0x20, s25, s13, $0xb8;
	[tilespmem:$0x1D400] =	vst v63  }
0x5a: {  	_ =	swait.ge [sflag:s14], $0x6800  }
0x5b: {  	[sflag:s14] =	ssyncset.done $0x0  }
0x5c: {  	s1 =	rddreg [dreg:$0x9];
	[sflag:s14] =	ssyncadd.s32 $0xFFFF9800  }
0x5d: {  	[hbm4b:s1+s2] =	stream.linear.scatter [tilespmem:s9], [sflag:$0x7], $0x6800, $0x38;
	[tilespmem:$0x1D400] =	vst v63  }
0x5e: {  	_ =	swait.ge [sflag:s6], $0x6800  }
0x5f: {  	[sflag:s6] =	ssyncset.done $0x0  }
0x60: {  	[sflag:s6] =	ssyncadd.s32 $0xFFFF9800  }
0x61: {  	[tilespmem:s9], [sflag:$0x3] =	stream.indirect.gather [hbm4b:s3+s13], $0x20, s24, s13, $0xb8;
	[tilespmem:$0x1D400] =	vst v63  }
0x62: {  	_ =	swait.ge [sflag:s12], $0x6800  }
0x63: {  	[sflag:s12] =	ssyncset.done $0x0  }
0x64: {  	s1 =	rddreg [dreg:$0xa];
	[sflag:s12] =	ssyncadd.s32 $0xFFFF9800  }
0x65: {  	[hbm4b:s1+s2] =	stream.linear.scatter [tilespmem:s8], [sflag:$0x8], $0x6800, $0x38;
	[tilespmem:$0x1D400] =	vst v63  }
0x66: {  	_ =	swait.ge [sflag:s7], $0x6800  }
0x67: {  	[sflag:s7] =	ssyncset.done $0x0  }
0x68: {  	[sflag:s7] =	ssyncadd.s32 $0xFFFF9800  }
0x69: {  	[tilespmem:s8], [sflag:$0x4] =	stream.indirect.gather [hbm4b:s3+s13], $0x20, s23, s13, $0xb8;
	[tilespmem:$0x1D400] =	vst v63  }
0x6a: {  	_ =	swait.ge [sflag:s16], $0x6800  }
0x6b: {  	[sflag:s16] =	ssyncset.done $0x0  }
0x6c: {  	s1 =	rddreg [dreg:$0xb];
	[sflag:s16] =	ssyncadd.s32 $0xFFFF9800  }
0x6d: {  	[hbm4b:s1+s2] =	stream.linear.scatter [tilespmem:s11], [sflag:$0x5], $0x6800, $0x38;
	[tilespmem:$0x1D400] =	vst v63  }
0x6e: {  	_ =	swait.ge [sflag:s4], $0x6800  }
0x6f: {  	[sflag:s4] =	ssyncset.done $0x0  }
0x70: {  	[sflag:s4] =	ssyncadd.s32 $0xFFFF9800  }
0x71: {  	[tilespmem:s11], [sflag:$0x1] =	stream.indirect.gather [hbm4b:s3+s13], $0x20, s22, s13, $0xb8;
	[tilespmem:$0x1D400] =	vst v63  }
0x72: {  	_ =	swait.ge [sflag:s15], $0x6800  }
0x73: {  	[sflag:s15] =	ssyncset.done $0x0  }
0x74: {  	s1 =	rddreg [dreg:$0xc];
	[sflag:s15] =	ssyncadd.s32 $0xFFFF9800  }
0x75: {  	[hbm4b:s1+s2] =	stream.linear.scatter [tilespmem:s10], [sflag:$0x6], $0x6800, $0x38;
	[tilespmem:$0x1D400] =	vst v63  }
0x76: {  	_ =	swait.ge [sflag:s5], $0x6800  }
0x77: {  	[sflag:s5] =	ssyncset.done $0x0  }
0x78: {  	[sflag:s5] =	ssyncadd.s32 $0xFFFF9800  }
0x79: {  	[tilespmem:s10], [sflag:$0x2] =	stream.indirect.gather [hbm4b:s3+s13], $0x20, s20, s13, $0xb8;
	[tilespmem:$0x1D400] =	vst v63  }
0x7a: {  	_ =	swait.ge [sflag:s14], $0x6800  }
0x7b: {  	[sflag:s14] =	ssyncset.done $0x0  }
0x7c: {  	s1 =	rddreg [dreg:$0xd];
	[sflag:s14] =	ssyncadd.s32 $0xFFFF9800  }
0x7d: {  	[hbm4b:s1+s2] =	stream.linear.scatter [tilespmem:s9], [sflag:$0x7], $0x6800, $0x38;
	[tilespmem:$0x1D400] =	vst v63  }
0x7e: {  	_ =	swait.ge [sflag:s6], $0x6800  }
0x7f: {  	[sflag:s6] =	ssyncset.done $0x0  }
0x80: {  	[sflag:s6] =	ssyncadd.s32 $0xFFFF9800  }
0x81: {  	[tilespmem:s9], [sflag:$0x3] =	stream.indirect.gather [hbm4b:s3+s13], $0x20, s19, s13, $0xb8;
	[tilespmem:$0x1D400] =	vst v63  }
0x82: {  	_ =	swait.ge [sflag:s12], $0x6800  }
0x83: {  	[sflag:s12] =	ssyncset.done $0x0  }
0x84: {  	s1 =	rddreg [dreg:$0xe];
	[sflag:s12] =	ssyncadd.s32 $0xFFFF9800  }
0x85: {  	[hbm4b:s1+s2] =	stream.linear.scatter [tilespmem:s8], [sflag:$0x8], $0x6800, $0x38;
	[tilespmem:$0x1D400] =	vst v63  }
0x86: {  	_ =	swait.ge [sflag:s7], $0x6800  }
0x87: {  	[sflag:s7] =	ssyncset.done $0x0  }
0x88: {  	[sflag:s7] =	ssyncadd.s32 $0xFFFF9800  }
0x89: {  	[tilespmem:s8], [sflag:$0x4] =	stream.indirect.gather [hbm4b:s3+s13], $0x20, s18, s13, $0xb8;
	[tilespmem:$0x1D400] =	vst v63  }
0x8a: {  	_ =	swait.ge [sflag:s16], $0x6800  }
0x8b: {  	[sflag:s16] =	ssyncset.done $0x0  }
0x8c: {  	s1 =	rddreg [dreg:$0xf];
	[sflag:s16] =	ssyncadd.s32 $0xFFFF9800  }
0x8d: {  	[hbm4b:s1+s2] =	stream.linear.scatter [tilespmem:s11], [sflag:$0x5], $0x6800, $0x38;
	[tilespmem:$0x1D400] =	vst v63  }
0x8e: {  	_ =	swait.ge [sflag:s15], $0x6800  }
0x8f: {  	[sflag:s15] =	ssyncset.done $0x0  }
0x90: {  	s1 =	rddreg [dreg:$0x10];
	[sflag:s15] =	ssyncadd.s32 $0xFFFF9800  }
0x91: {  	[hbm4b:s1+s2] =	stream.linear.scatter [tilespmem:s10], [sflag:$0x6], $0x6800, $0x38;
	[tilespmem:$0x1D400] =	vst v63  }
0x92: {  	_ =	swait.ge [sflag:s14], $0x6800  }
0x93: {  	[sflag:s14] =	ssyncset.done $0x0  }
0x94: {  	s1 =	rddreg [dreg:$0x11];
	[sflag:s14] =	ssyncadd.s32 $0xFFFF9800  }
0x95: {  	[hbm4b:s1+s2] =	stream.linear.scatter [tilespmem:s9], [sflag:$0x7], $0x6800, $0x38;
	[tilespmem:$0x1D400] =	vst v63  }
0x96: {  	_ =	swait.ge [sflag:s12], $0x6800  }
0x97: {  	[sflag:s12] =	ssyncset.done $0x0  }
0x98: {  	s1 =	rddreg [dreg:$0x12];
	[sflag:s12] =	ssyncadd.s32 $0xFFFF9800  }
0x99: {  	[hbm4b:s1+s2] =	stream.linear.scatter [tilespmem:s8], [sflag:$0x8], $0x6800, $0x38;
	[tilespmem:$0x1D400] =	vst v63  }
0x9a: {  	_ =	swait.ge [sflag:s4], $0x6800  }
0x9b: {  	[sflag:s4] =	ssyncset.done $0x0  }
0x9c: {  	[sflag:s4] =	ssyncadd.s32 $0xFFFF9800  }
0x9d: {  	_ =	swait.ge [sflag:s5], $0x6800  }
0x9e: {  	[sflag:s5] =	ssyncset.done $0x0  }
0x9f: {  	p1 =	sne.s32 s17, $0x1;
	[sflag:s5] =	ssyncadd.s32 $0xFFFF9800  }
.Ltmp1:
0xa0: {  	_ =	swait.ge [sflag:s6], $0x6800;
	(pc) =	sbr.rel @!p1 .LBB2_3-.Ltmp1, $4  }
0xa1: {  	[sflag:s6] =	ssyncset.done $0x0  }
0xa2: {  	[sflag:s6] =	ssyncadd.s32 $0xFFFF9800  }
0xa3: {  	p0 =	por $0x1, $0x1;
	_ =	swait.ge [sflag:s7], $0x6800  }
0xa4: {  	s1 =	sadd.s32 $0xFFFFFFFF, s17;
	s0 =	rddreg [dreg:$0x3];
	[sflag:s7] =	ssyncset.done $0x0  }
.LBB2_4:
0xa5: {  	[sflag:s7] =	ssyncadd.s32 $0xFFFF9800  }
0xa6: {  	[tilespmem:s2], [sflag:$0x9] =	stream.linear.gather [hbm4b:s0+s2], $0x3400, $0x38;
	[tilespmem:$0x1D400] =	vst v63  }
0xa7: {  	_ =	swait.ge [sflag:s31], $0x3400  }
0xa8: {  	[sflag:s31] =	ssyncset.done $0x0  }
0xa9: {  	[sflag:s31] =	ssyncadd.s32 $0xFFFFCC00  }
0xaa: {  	[tilespmem:s11], [sflag:$0x1] =	stream.indirect.gather [hbm4b:s3+s13], $0x20, s2, s13, $0xb8;
	[tilespmem:$0x1D400] =	vst v63  }
0xab: {  	_ = 	snop  }
0xac: {  	[tilespmem:s10], [sflag:$0x2] =	stream.indirect.gather [hbm4b:s3+s13], $0x20, s13, s13, $0xb8;
	[tilespmem:$0x1D400] =	vst v63  }
0xad: {  	s0 =	rddreg [dreg:$0x13]  }
0xae: {  	[tilespmem:s9], [sflag:$0x3] =	stream.indirect.gather [hbm4b:s3+s13], $0x20, s0, s13, $0xb8;
	[tilespmem:$0x1D400] =	vst v63  }
0xaf: {  	s17 =	rddreg [dreg:$0x14]  }
0xb0: {  	[tilespmem:s8], [sflag:$0x4] =	stream.indirect.gather [hbm4b:s3+s13], $0x20, s17, s13, $0xb8;
	[tilespmem:$0x1D400] =	vst v63  }
0xb1: {  	_ =	swait.ge [sflag:s16], $0x6800  }
0xb2: {  	[sflag:s16] =	ssyncset.done $0x0  }
0xb3: {  	[sflag:s16] =	ssyncadd.s32 $0xFFFF9800  }
0xb4: {  	[hbm4b:s21+s2] =	stream.linear.scatter [tilespmem:s11], [sflag:$0x5], $0x6800, $0x38;
	[tilespmem:$0x1D400] =	vst v63  }
0xb5: {  	_ =	swait.ge [sflag:s4], $0x6800  }
0xb6: {  	[sflag:s4] =	ssyncset.done $0x0  }
0xb7: {  	s17 =	simm.s32 $0xD00;
	[sflag:s4] =	ssyncadd.s32 $0xFFFF9800  }
0xb8: {  	[tilespmem:s11], [sflag:$0x1] =	stream.indirect.gather [hbm4b:s3+s13], $0x20, s17, s13, $0xb8;
	[tilespmem:$0x1D400] =	vst v63  }
0xb9: {  	_ =	swait.ge [sflag:s15], $0x6800  }
0xba: {  	[sflag:s15] =	ssyncset.done $0x0  }
0xbb: {  	s17 =	rddreg [dreg:$0x4];
	[sflag:s15] =	ssyncadd.s32 $0xFFFF9800  }
0xbc: {  	[hbm4b:s17+s2] =	stream.linear.scatter [tilespmem:s10], [sflag:$0x6], $0x6800, $0x38;
	[tilespmem:$0x1D400] =	vst v63  }
0xbd: {  	_ =	swait.ge [sflag:s5], $0x6800  }
0xbe: {  	[sflag:s5] =	ssyncset.done $0x0  }
0xbf: {  	[sflag:s5] =	ssyncadd.s32 $0xFFFF9800  }
0xc0: {  	[tilespmem:s10], [sflag:$0x2] =	stream.indirect.gather [hbm4b:s3+s13], $0x20, s30, s13, $0xb8;
	[tilespmem:$0x1D400] =	vst v63  }
0xc1: {  	_ =	swait.ge [sflag:s14], $0x6800  }
0xc2: {  	[sflag:s14] =	ssyncset.done $0x0  }
0xc3: {  	s17 =	rddreg [dreg:$0x5];
	[sflag:s14] =	ssyncadd.s32 $0xFFFF9800  }
0xc4: {  	[hbm4b:s17+s2] =	stream.linear.scatter [tilespmem:s9], [sflag:$0x7], $0x6800, $0x38;
	[tilespmem:$0x1D400] =	vst v63  }
0xc5: {  	_ =	swait.ge [sflag:s6], $0x6800  }
0xc6: {  	[sflag:s6] =	ssyncset.done $0x0  }
0xc7: {  	[sflag:s6] =	ssyncadd.s32 $0xFFFF9800  }
0xc8: {  	[tilespmem:s9], [sflag:$0x3] =	stream.indirect.gather [hbm4b:s3+s13], $0x20, s29, s13, $0xb8;
	[tilespmem:$0x1D400] =	vst v63  }
0xc9: {  	_ =	swait.ge [sflag:s12], $0x6800  }
0xca: {  	[sflag:s12] =	ssyncset.done $0x0  }
0xcb: {  	s17 =	rddreg [dreg:$0x6];
	[sflag:s12] =	ssyncadd.s32 $0xFFFF9800  }
0xcc: {  	[hbm4b:s17+s2] =	stream.linear.scatter [tilespmem:s8], [sflag:$0x8], $0x6800, $0x38;
	[tilespmem:$0x1D400] =	vst v63  }
0xcd: {  	_ =	swait.ge [sflag:s7], $0x6800  }
0xce: {  	[sflag:s7] =	ssyncset.done $0x0  }
0xcf: {  	[sflag:s7] =	ssyncadd.s32 $0xFFFF9800  }
0xd0: {  	[tilespmem:s8], [sflag:$0x4] =	stream.indirect.gather [hbm4b:s3+s13], $0x20, s28, s13, $0xb8;
	[tilespmem:$0x1D400] =	vst v63  }
0xd1: {  	_ =	swait.ge [sflag:s16], $0x6800  }
0xd2: {  	[sflag:s16] =	ssyncset.done $0x0  }
0xd3: {  	s17 =	rddreg [dreg:$0x7];
	[sflag:s16] =	ssyncadd.s32 $0xFFFF9800  }
0xd4: {  	[hbm4b:s17+s2] =	stream.linear.scatter [tilespmem:s11], [sflag:$0x5], $0x6800, $0x38;
	[tilespmem:$0x1D400] =	vst v63  }
0xd5: {  	_ =	swait.ge [sflag:s4], $0x6800  }
0xd6: {  	[sflag:s4] =	ssyncset.done $0x0  }
0xd7: {  	[sflag:s4] =	ssyncadd.s32 $0xFFFF9800  }
0xd8: {  	[tilespmem:s11], [sflag:$0x1] =	stream.indirect.gather [hbm4b:s3+s13], $0x20, s26, s13, $0xb8;
	[tilespmem:$0x1D400] =	vst v63  }
0xd9: {  	_ =	swait.ge [sflag:s15], $0x6800  }
0xda: {  	[sflag:s15] =	ssyncset.done $0x0  }
0xdb: {  	s17 =	rddreg [dreg:$0x8];
	[sflag:s15] =	ssyncadd.s32 $0xFFFF9800  }
0xdc: {  	[hbm4b:s17+s2] =	stream.linear.scatter [tilespmem:s10], [sflag:$0x6], $0x6800, $0x38;
	[tilespmem:$0x1D400] =	vst v63  }
0xdd: {  	_ =	swait.ge [sflag:s5], $0x6800  }
0xde: {  	[sflag:s5] =	ssyncset.done $0x0  }
0xdf: {  	[sflag:s5] =	ssyncadd.s32 $0xFFFF9800  }
0xe0: {  	[tilespmem:s10], [sflag:$0x2] =	stream.indirect.gather [hbm4b:s3+s13], $0x20, s25, s13, $0xb8;
	[tilespmem:$0x1D400] =	vst v63  }
0xe1: {  	_ =	swait.ge [sflag:s14], $0x6800  }
0xe2: {  	[sflag:s14] =	ssyncset.done $0x0  }
0xe3: {  	s17 =	rddreg [dreg:$0x9];
	[sflag:s14] =	ssyncadd.s32 $0xFFFF9800  }
0xe4: {  	[hbm4b:s17+s2] =	stream.linear.scatter [tilespmem:s9], [sflag:$0x7], $0x6800, $0x38;
	[tilespmem:$0x1D400] =	vst v63  }
0xe5: {  	_ =	swait.ge [sflag:s6], $0x6800  }
0xe6: {  	[sflag:s6] =	ssyncset.done $0x0  }
0xe7: {  	[sflag:s6] =	ssyncadd.s32 $0xFFFF9800  }
0xe8: {  	[tilespmem:s9], [sflag:$0x3] =	stream.indirect.gather [hbm4b:s3+s13], $0x20, s24, s13, $0xb8;
	[tilespmem:$0x1D400] =	vst v63  }
0xe9: {  	_ =	swait.ge [sflag:s12], $0x6800  }
0xea: {  	[sflag:s12] =	ssyncset.done $0x0  }
0xeb: {  	s17 =	rddreg [dreg:$0xa];
	[sflag:s12] =	ssyncadd.s32 $0xFFFF9800  }
0xec: {  	[hbm4b:s17+s2] =	stream.linear.scatter [tilespmem:s8], [sflag:$0x8], $0x6800, $0x38;
	[tilespmem:$0x1D400] =	vst v63  }
0xed: {  	_ =	swait.ge [sflag:s7], $0x6800  }
0xee: {  	[sflag:s7] =	ssyncset.done $0x0  }
0xef: {  	[sflag:s7] =	ssyncadd.s32 $0xFFFF9800  }
0xf0: {  	[tilespmem:s8], [sflag:$0x4] =	stream.indirect.gather [hbm4b:s3+s13], $0x20, s23, s13, $0xb8;
	[tilespmem:$0x1D400] =	vst v63  }
0xf1: {  	_ =	swait.ge [sflag:s16], $0x6800  }
0xf2: {  	[sflag:s16] =	ssyncset.done $0x0  }
0xf3: {  	s17 =	rddreg [dreg:$0xb];
	[sflag:s16] =	ssyncadd.s32 $0xFFFF9800  }
0xf4: {  	[hbm4b:s17+s2] =	stream.linear.scatter [tilespmem:s11], [sflag:$0x5], $0x6800, $0x38;
	[tilespmem:$0x1D400] =	vst v63  }
0xf5: {  	_ =	swait.ge [sflag:s4], $0x6800  }
0xf6: {  	[sflag:s4] =	ssyncset.done $0x0  }
0xf7: {  	[sflag:s4] =	ssyncadd.s32 $0xFFFF9800  }
0xf8: {  	[tilespmem:s11], [sflag:$0x1] =	stream.indirect.gather [hbm4b:s3+s13], $0x20, s22, s13, $0xb8;
	[tilespmem:$0x1D400] =	vst v63  }
0xf9: {  	_ =	swait.ge [sflag:s15], $0x6800  }
0xfa: {  	[sflag:s15] =	ssyncset.done $0x0  }
0xfb: {  	s17 =	rddreg [dreg:$0xc];
	[sflag:s15] =	ssyncadd.s32 $0xFFFF9800  }
0xfc: {  	[hbm4b:s17+s2] =	stream.linear.scatter [tilespmem:s10], [sflag:$0x6], $0x6800, $0x38;
	[tilespmem:$0x1D400] =	vst v63  }
0xfd: {  	_ =	swait.ge [sflag:s5], $0x6800  }
0xfe: {  	[sflag:s5] =	ssyncset.done $0x0  }
0xff: {  	[sflag:s5] =	ssyncadd.s32 $0xFFFF9800  }
0x100: {  	[tilespmem:s10], [sflag:$0x2] =	stream.indirect.gather [hbm4b:s3+s13], $0x20, s20, s13, $0xb8;
	[tilespmem:$0x1D400] =	vst v63  }
0x101: {  	_ =	swait.ge [sflag:s14], $0x6800  }
0x102: {  	[sflag:s14] =	ssyncset.done $0x0  }
0x103: {  	s17 =	rddreg [dreg:$0xd];
	[sflag:s14] =	ssyncadd.s32 $0xFFFF9800  }
0x104: {  	[hbm4b:s17+s2] =	stream.linear.scatter [tilespmem:s9], [sflag:$0x7], $0x6800, $0x38;
	[tilespmem:$0x1D400] =	vst v63  }
0x105: {  	_ =	swait.ge [sflag:s6], $0x6800  }
0x106: {  	[sflag:s6] =	ssyncset.done $0x0  }
0x107: {  	[sflag:s6] =	ssyncadd.s32 $0xFFFF9800  }
0x108: {  	[tilespmem:s9], [sflag:$0x3] =	stream.indirect.gather [hbm4b:s3+s13], $0x20, s19, s13, $0xb8;
	[tilespmem:$0x1D400] =	vst v63  }
0x109: {  	_ =	swait.ge [sflag:s12], $0x6800  }
0x10a: {  	[sflag:s12] =	ssyncset.done $0x0  }
0x10b: {  	s17 =	rddreg [dreg:$0xe];
	[sflag:s12] =	ssyncadd.s32 $0xFFFF9800  }
0x10c: {  	[hbm4b:s17+s2] =	stream.linear.scatter [tilespmem:s8], [sflag:$0x8], $0x6800, $0x38;
	[tilespmem:$0x1D400] =	vst v63  }
0x10d: {  	_ =	swait.ge [sflag:s7], $0x6800  }
0x10e: {  	[sflag:s7] =	ssyncset.done $0x0  }
0x10f: {  	[sflag:s7] =	ssyncadd.s32 $0xFFFF9800  }
0x110: {  	[tilespmem:s8], [sflag:$0x4] =	stream.indirect.gather [hbm4b:s3+s13], $0x20, s18, s13, $0xb8;
	[tilespmem:$0x1D400] =	vst v63  }
0x111: {  	_ =	swait.ge [sflag:s16], $0x6800  }
0x112: {  	[sflag:s16] =	ssyncset.done $0x0  }
0x113: {  	s17 =	rddreg [dreg:$0xf];
	[sflag:s16] =	ssyncadd.s32 $0xFFFF9800  }
0x114: {  	[hbm4b:s17+s2] =	stream.linear.scatter [tilespmem:s11], [sflag:$0x5], $0x6800, $0x38;
	[tilespmem:$0x1D400] =	vst v63  }
0x115: {  	_ =	swait.ge [sflag:s15], $0x6800  }
0x116: {  	[sflag:s15] =	ssyncset.done $0x0  }
0x117: {  	s17 =	rddreg [dreg:$0x10];
	[sflag:s15] =	ssyncadd.s32 $0xFFFF9800  }
0x118: {  	[hbm4b:s17+s2] =	stream.linear.scatter [tilespmem:s10], [sflag:$0x6], $0x6800, $0x38;
	[tilespmem:$0x1D400] =	vst v63  }
0x119: {  	_ =	swait.ge [sflag:s14], $0x6800  }
0x11a: {  	[sflag:s14] =	ssyncset.done $0x0  }
0x11b: {  	s17 =	rddreg [dreg:$0x11];
	[sflag:s14] =	ssyncadd.s32 $0xFFFF9800  }
0x11c: {  	[hbm4b:s17+s2] =	stream.linear.scatter [tilespmem:s9], [sflag:$0x7], $0x6800, $0x38;
	[tilespmem:$0x1D400] =	vst v63  }
0x11d: {  	_ =	swait.ge [sflag:s12], $0x6800  }
0x11e: {  	[sflag:s12] =	ssyncset.done $0x0  }
0x11f: {  	s17 =	rddreg [dreg:$0x12];
	[sflag:s12] =	ssyncadd.s32 $0xFFFF9800  }
0x120: {  	[hbm4b:s17+s2] =	stream.linear.scatter [tilespmem:s8], [sflag:$0x8], $0x6800, $0x38;
	[tilespmem:$0x1D400] =	vst v63  }
0x121: {  	_ =	swait.ge [sflag:s4], $0x6800  }
0x122: {  	[sflag:s4] =	ssyncset.done $0x0  }
0x123: {  	[sflag:s4] =	ssyncadd.s32 $0xFFFF9800  }
0x124: {  	_ =	swait.ge [sflag:s5], $0x6800  }
0x125: {  	[sflag:s5] =	ssyncset.done $0x0  }
0x126: {  	p1 =	sne.s32 s1, $0x1;
	[sflag:s5] =	ssyncadd.s32 $0xFFFF9800  }
.Ltmp2:
0x127: {  	_ =	swait.ge [sflag:s6], $0x6800;
	(pc) =	sbr.rel @p1 .LBB2_4-.Ltmp2, $4  }
0x128: {  	[sflag:s6] =	ssyncset.done $0x0  }
0x129: {  	[sflag:s6] =	ssyncadd.s32 $0xFFFF9800  }
0x12a: {  	_ =	swait.ge [sflag:s7], $0x6800  }
0x12b: {  	s1 =	sadd.s32 $0xFFFFFFFF, s1;
	s0 =	rddreg [dreg:$0x3];
	[sflag:s7] =	ssyncset.done $0x0  }
0x12c: {  	s18 =	simm.s32 $0xD00;
	s30 =	simm.s32 $0x1040;
	s29 =	simm.s32 $0x1380  }
0x12d: {  	s28 =	simm.s32 $0x16C0;
	s26 =	simm.s32 $0x1A00;
	s25 =	simm.s32 $0x1D40  }
0x12e: {  	s24 =	simm.s32 $0x2080;
	s23 =	simm.s32 $0x23C0;
	s22 =	simm.s32 $0x2700  }
0x12f: {  	s20 =	simm.s32 $0x2A40;
	s19 =	simm.s32 $0x2D80;
	s17 =	stileid.u32  }
.LBB2_6:
0x130: {  	[sflag:s7] =	ssyncadd.s32 @p0 $0xFFFF9800  }
0x131: {  	[tilespmem:s2], [sflag:$0x9] =	stream.linear.gather [hbm4b:s0+s2], $0x3400, $0x38;
	[tilespmem:$0x1D400] =	vst v63  }
0x132: {  	_ =	swait.ge [sflag:s31], $0x3400  }
0x133: {  	[sflag:s31] =	ssyncset.done $0x0  }
0x134: {  	[sflag:s31] =	ssyncadd.s32 $0xFFFFCC00  }
0x135: {  	[tilespmem:s11], [sflag:$0x1] =	stream.indirect.gather [hbm4b:s3+s13], $0x20, s2, s13, $0xb8;
	[tilespmem:$0x1D400] =	vst v63  }
0x136: {  	_ = 	snop  }
0x137: {  	[tilespmem:s10], [sflag:$0x2] =	stream.indirect.gather [hbm4b:s3+s13], $0x20, s13, s13, $0xb8;
	[tilespmem:$0x1D400] =	vst v63  }
0x138: {  	s31 =	rddreg [dreg:$0x13]  }
0x139: {  	[tilespmem:s9], [sflag:$0x3] =	stream.indirect.gather [hbm4b:s3+s13], $0x20, s31, s13, $0xb8;
	[tilespmem:$0x1D400] =	vst v63  }
0x13a: {  	s1 =	rddreg [dreg:$0x14]  }
0x13b: {  	[tilespmem:s8], [sflag:$0x4] =	stream.indirect.gather [hbm4b:s3+s13], $0x20, s1, s13, $0xb8;
	[tilespmem:$0x1D400] =	vst v63  }
0x13c: {  	_ =	swait.ge [sflag:s16], $0x6800  }
0x13d: {  	[sflag:s16] =	ssyncset.done $0x0  }
0x13e: {  	[sflag:s16] =	ssyncadd.s32 $0xFFFF9800  }
0x13f: {  	[hbm4b:s21+s2] =	stream.linear.scatter [tilespmem:s11], [sflag:$0x5], $0x6800, $0x38;
	[tilespmem:$0x1D400] =	vst v63  }
0x140: {  	_ =	swait.ge [sflag:s4], $0x6800  }
0x141: {  	[sflag:s4] =	ssyncset.done $0x0  }
0x142: {  	[sflag:s4] =	ssyncadd.s32 $0xFFFF9800  }
0x143: {  	[tilespmem:s11], [sflag:$0x1] =	stream.indirect.gather [hbm4b:s3+s13], $0x20, s18, s13, $0xb8;
	[tilespmem:$0x1D400] =	vst v63  }
0x144: {  	_ =	swait.ge [sflag:s15], $0x6800  }
0x145: {  	[sflag:s15] =	ssyncset.done $0x0  }
0x146: {  	s18 =	rddreg [dreg:$0x4];
	[sflag:s15] =	ssyncadd.s32 $0xFFFF9800  }
0x147: {  	[hbm4b:s18+s2] =	stream.linear.scatter [tilespmem:s10], [sflag:$0x6], $0x6800, $0x38;
	[tilespmem:$0x1D400] =	vst v63  }
0x148: {  	_ =	swait.ge [sflag:s5], $0x6800  }
0x149: {  	[sflag:s5] =	ssyncset.done $0x0  }
0x14a: {  	[sflag:s5] =	ssyncadd.s32 $0xFFFF9800  }
0x14b: {  	[tilespmem:s10], [sflag:$0x2] =	stream.indirect.gather [hbm4b:s3+s13], $0x20, s30, s13, $0xb8;
	[tilespmem:$0x1D400] =	vst v63  }
0x14c: {  	_ =	swait.ge [sflag:s14], $0x6800  }
0x14d: {  	[sflag:s14] =	ssyncset.done $0x0  }
0x14e: {  	s21 =	rddreg [dreg:$0x5];
	[sflag:s14] =	ssyncadd.s32 $0xFFFF9800  }
0x14f: {  	[hbm4b:s21+s2] =	stream.linear.scatter [tilespmem:s9], [sflag:$0x7], $0x6800, $0x38;
	[tilespmem:$0x1D400] =	vst v63  }
0x150: {  	_ =	swait.ge [sflag:s6], $0x6800  }
0x151: {  	[sflag:s6] =	ssyncset.done $0x0  }
0x152: {  	[sflag:s6] =	ssyncadd.s32 $0xFFFF9800  }
0x153: {  	[tilespmem:s9], [sflag:$0x3] =	stream.indirect.gather [hbm4b:s3+s13], $0x20, s29, s13, $0xb8;
	[tilespmem:$0x1D400] =	vst v63  }
0x154: {  	_ =	swait.ge [sflag:s12], $0x6800  }
0x155: {  	[sflag:s12] =	ssyncset.done $0x0  }
0x156: {  	s29 =	rddreg [dreg:$0x6];
	[sflag:s12] =	ssyncadd.s32 $0xFFFF9800  }
0x157: {  	[hbm4b:s29+s2] =	stream.linear.scatter [tilespmem:s8], [sflag:$0x8], $0x6800, $0x38;
	[tilespmem:$0x1D400] =	vst v63  }
0x158: {  	_ =	swait.ge [sflag:s7], $0x6800  }
0x159: {  	[sflag:s7] =	ssyncset.done $0x0  }
0x15a: {  	[sflag:s7] =	ssyncadd.s32 $0xFFFF9800  }
0x15b: {  	[tilespmem:s8], [sflag:$0x4] =	stream.indirect.gather [hbm4b:s3+s13], $0x20, s28, s13, $0xb8;
	[tilespmem:$0x1D400] =	vst v63  }
0x15c: {  	_ =	swait.ge [sflag:s16], $0x6800  }
0x15d: {  	[sflag:s16] =	ssyncset.done $0x0  }
0x15e: {  	s30 =	rddreg [dreg:$0x7];
	[sflag:s16] =	ssyncadd.s32 $0xFFFF9800  }
0x15f: {  	[hbm4b:s30+s2] =	stream.linear.scatter [tilespmem:s11], [sflag:$0x5], $0x6800, $0x38;
	[tilespmem:$0x1D400] =	vst v63  }
0x160: {  	_ =	swait.ge [sflag:s4], $0x6800  }
0x161: {  	[sflag:s4] =	ssyncset.done $0x0  }
0x162: {  	[sflag:s4] =	ssyncadd.s32 $0xFFFF9800  }
0x163: {  	[tilespmem:s11], [sflag:$0x1] =	stream.indirect.gather [hbm4b:s3+s13], $0x20, s26, s13, $0xb8;
	[tilespmem:$0x1D400] =	vst v63  }
0x164: {  	_ =	swait.ge [sflag:s15], $0x6800  }
0x165: {  	[sflag:s15] =	ssyncset.done $0x0  }
0x166: {  	s31 =	rddreg [dreg:$0x8];
	[sflag:s15] =	ssyncadd.s32 $0xFFFF9800  }
0x167: {  	[hbm4b:s31+s2] =	stream.linear.scatter [tilespmem:s10], [sflag:$0x6], $0x6800, $0x38;
	[tilespmem:$0x1D400] =	vst v63  }
0x168: {  	_ =	swait.ge [sflag:s5], $0x6800  }
0x169: {  	[sflag:s5] =	ssyncset.done $0x0  }
0x16a: {  	[sflag:s5] =	ssyncadd.s32 $0xFFFF9800  }
0x16b: {  	[tilespmem:s10], [sflag:$0x2] =	stream.indirect.gather [hbm4b:s3+s13], $0x20, s25, s13, $0xb8;
	[tilespmem:$0x1D400] =	vst v63  }
0x16c: {  	_ =	swait.ge [sflag:s14], $0x6800  }
0x16d: {  	[sflag:s14] =	ssyncset.done $0x0  }
0x16e: {  	s1 =	rddreg [dreg:$0x9];
	[sflag:s14] =	ssyncadd.s32 $0xFFFF9800  }
0x16f: {  	[hbm4b:s1+s2] =	stream.linear.scatter [tilespmem:s9], [sflag:$0x7], $0x6800, $0x38;
	[tilespmem:$0x1D400] =	vst v63  }
0x170: {  	_ =	swait.ge [sflag:s6], $0x6800  }
0x171: {  	[sflag:s6] =	ssyncset.done $0x0  }
0x172: {  	[sflag:s6] =	ssyncadd.s32 $0xFFFF9800  }
0x173: {  	[tilespmem:s9], [sflag:$0x3] =	stream.indirect.gather [hbm4b:s3+s13], $0x20, s24, s13, $0xb8;
	[tilespmem:$0x1D400] =	vst v63  }
0x174: {  	_ =	swait.ge [sflag:s12], $0x6800  }
0x175: {  	[sflag:s12] =	ssyncset.done $0x0  }
0x176: {  	s18 =	rddreg [dreg:$0xa];
	[sflag:s12] =	ssyncadd.s32 $0xFFFF9800  }
0x177: {  	[hbm4b:s18+s2] =	stream.linear.scatter [tilespmem:s8], [sflag:$0x8], $0x6800, $0x38;
	[tilespmem:$0x1D400] =	vst v63  }
0x178: {  	_ =	swait.ge [sflag:s7], $0x6800  }
0x179: {  	[sflag:s7] =	ssyncset.done $0x0  }
0x17a: {  	[sflag:s7] =	ssyncadd.s32 $0xFFFF9800  }
0x17b: {  	[tilespmem:s8], [sflag:$0x4] =	stream.indirect.gather [hbm4b:s3+s13], $0x20, s23, s13, $0xb8;
	[tilespmem:$0x1D400] =	vst v63  }
0x17c: {  	_ =	swait.ge [sflag:s16], $0x6800  }
0x17d: {  	[sflag:s16] =	ssyncset.done $0x0  }
0x17e: {  	s21 =	rddreg [dreg:$0xb];
	[sflag:s16] =	ssyncadd.s32 $0xFFFF9800  }
0x17f: {  	[hbm4b:s21+s2] =	stream.linear.scatter [tilespmem:s11], [sflag:$0x5], $0x6800, $0x38;
	[tilespmem:$0x1D400] =	vst v63  }
0x180: {  	_ =	swait.ge [sflag:s4], $0x6800  }
0x181: {  	[sflag:s4] =	ssyncset.done $0x0  }
0x182: {  	[sflag:s4] =	ssyncadd.s32 $0xFFFF9800  }
0x183: {  	[tilespmem:s11], [sflag:$0x1] =	stream.indirect.gather [hbm4b:s3+s13], $0x20, s22, s13, $0xb8;
	[tilespmem:$0x1D400] =	vst v63  }
0x184: {  	_ =	swait.ge [sflag:s15], $0x6800  }
0x185: {  	[sflag:s15] =	ssyncset.done $0x0  }
0x186: {  	s23 =	rddreg [dreg:$0xc];
	[sflag:s15] =	ssyncadd.s32 $0xFFFF9800  }
0x187: {  	[hbm4b:s23+s2] =	stream.linear.scatter [tilespmem:s10], [sflag:$0x6], $0x6800, $0x38;
	[tilespmem:$0x1D400] =	vst v63  }
0x188: {  	_ =	swait.ge [sflag:s5], $0x6800  }
0x189: {  	[sflag:s5] =	ssyncset.done $0x0  }
0x18a: {  	[sflag:s5] =	ssyncadd.s32 $0xFFFF9800  }
0x18b: {  	[tilespmem:s10], [sflag:$0x2] =	stream.indirect.gather [hbm4b:s3+s13], $0x20, s20, s13, $0xb8;
	[tilespmem:$0x1D400] =	vst v63  }
0x18c: {  	_ =	swait.ge [sflag:s14], $0x6800  }
0x18d: {  	[sflag:s14] =	ssyncset.done $0x0  }
0x18e: {  	s24 =	rddreg [dreg:$0xd];
	[sflag:s14] =	ssyncadd.s32 $0xFFFF9800  }
0x18f: {  	[hbm4b:s24+s2] =	stream.linear.scatter [tilespmem:s9], [sflag:$0x7], $0x6800, $0x38;
	[tilespmem:$0x1D400] =	vst v63  }
0x190: {  	_ =	swait.ge [sflag:s6], $0x6800  }
0x191: {  	[sflag:s6] =	ssyncset.done $0x0  }
0x192: {  	[sflag:s6] =	ssyncadd.s32 $0xFFFF9800  }
0x193: {  	[tilespmem:s9], [sflag:$0x3] =	stream.indirect.gather [hbm4b:s3+s13], $0x20, s19, s13, $0xb8;
	[tilespmem:$0x1D400] =	vst v63  }
0x194: {  	_ =	swait.ge [sflag:s12], $0x6800  }
0x195: {  	[sflag:s12] =	ssyncset.done $0x0  }
0x196: {  	s25 =	rddreg [dreg:$0xe];
	[sflag:s12] =	ssyncadd.s32 $0xFFFF9800  }
0x197: {  	[hbm4b:s25+s2] =	stream.linear.scatter [tilespmem:s8], [sflag:$0x8], $0x6800, $0x38;
	[tilespmem:$0x1D400] =	vst v63  }
0x198: {  	_ =	swait.ge [sflag:s7], $0x6800  }
0x199: {  	[sflag:s7] =	ssyncset.done $0x0  }
0x19a: {  	s26 =	simm.s32 $0x30C0;
	[sflag:s7] =	ssyncadd.s32 $0xFFFF9800  }
0x19b: {  	[tilespmem:s8], [sflag:$0x4] =	stream.indirect.gather [hbm4b:s3+s13], $0x20, s26, s13, $0xb8;
	[tilespmem:$0x1D400] =	vst v63  }
0x19c: {  	_ =	swait.ge [sflag:s16], $0x6800  }
0x19d: {  	[sflag:s16] =	ssyncset.done $0x0  }
0x19e: {  	s28 =	rddreg [dreg:$0xf];
	[sflag:s16] =	ssyncadd.s32 $0xFFFF9800  }
0x19f: {  	[hbm4b:s28+s2] =	stream.linear.scatter [tilespmem:s11], [sflag:$0x5], $0x6800, $0x38;
	[tilespmem:$0x1D400] =	vst v63  }
0x1a0: {  	_ =	swait.ge [sflag:s15], $0x6800  }
0x1a1: {  	[sflag:s15] =	ssyncset.done $0x0  }
0x1a2: {  	s29 =	rddreg [dreg:$0x10];
	[sflag:s15] =	ssyncadd.s32 $0xFFFF9800  }
0x1a3: {  	[hbm4b:s29+s2] =	stream.linear.scatter [tilespmem:s10], [sflag:$0x6], $0x6800, $0x38;
	[tilespmem:$0x1D400] =	vst v63  }
0x1a4: {  	_ =	swait.ge [sflag:s14], $0x6800  }
0x1a5: {  	[sflag:s14] =	ssyncset.done $0x0  }
0x1a6: {  	s30 =	rddreg [dreg:$0x11];
	[sflag:s14] =	ssyncadd.s32 $0xFFFF9800  }
0x1a7: {  	[hbm4b:s30+s2] =	stream.linear.scatter [tilespmem:s9], [sflag:$0x7], $0x6800, $0x38;
	[tilespmem:$0x1D400] =	vst v63  }
0x1a8: {  	_ =	swait.ge [sflag:s12], $0x6800  }
0x1a9: {  	[sflag:s12] =	ssyncset.done $0x0  }
0x1aa: {  	s31 =	rddreg [dreg:$0x12];
	[sflag:s12] =	ssyncadd.s32 $0xFFFF9800  }
0x1ab: {  	[hbm4b:s31+s2] =	stream.linear.scatter [tilespmem:s8], [sflag:$0x8], $0x6800, $0x38;
	[tilespmem:$0x1D400] =	vst v63  }
0x1ac: {  	_ =	swait.ge [sflag:s4], $0x6800  }
0x1ad: {  	[sflag:s4] =	ssyncset.done $0x0  }
0x1ae: {  	[sflag:s4] =	ssyncadd.s32 $0xFFFF9800  }
0x1af: {  	_ =	swait.ge [sflag:s5], $0x6800  }
0x1b0: {  	[sflag:s5] =	ssyncset.done $0x0  }
0x1b1: {  	[sflag:s5] =	ssyncadd.s32 $0xFFFF9800  }
0x1b2: {  	_ =	swait.ge [sflag:s6], $0x6800  }
0x1b3: {  	[sflag:s6] =	ssyncset.done $0x0  }
0x1b4: {  	[sflag:s6] =	ssyncadd.s32 $0xFFFF9800  }
0x1b5: {  	_ =	swait.ge [sflag:s7], $0x6800  }
0x1b6: {  	[sflag:s7] =	ssyncset.done $0x0  }
0x1b7: {  	[sflag:s7] =	ssyncadd.s32 $0xFFFF9800  }
0x1b8: {  	_ =	sfence.sel $0x180000  }
0x1b9: {  	[bflag:$0x0] =	sbarrier.arrive $0xFFFF  }
0x1ba: {  	_ =	strace $0x90000047  }
0x1bb: {  	[bflag:$0x2] =	sbarrier.arrive $0xFFFF  }
0x1bc: {  	p0 =	sne.s32 s17, $0x0;
	s0 =	rddreg [dreg:$0x2]  }
0x1bd: {  	s0 =	sadd.s32 @!p0 $0x100000, s0  }
0x1be: {  	[sflag:s0] =	ssyncadd.tile.s32 @!p0 $0x1;
	_ =	shalt  }
.LBB2_1:
.Ltmp3:
0x1bf: {  	(pc) =	sbr.rel .LBB2_6-.Ltmp3, $4  }
0x1c0: {  	s18 =	simm.s32 $0xD00;
	s30 =	simm.s32 $0x1040  }
0x1c1: {  	s29 =	simm.s32 $0x1380;
	s28 =	simm.s32 $0x16C0;
	s26 =	simm.s32 $0x1A00  }
0x1c2: {  	s25 =	simm.s32 $0x1D40;
	s24 =	simm.s32 $0x2080;
	s23 =	simm.s32 $0x23C0  }
0x1c3: {  	s22 =	simm.s32 $0x2700;
	s20 =	simm.s32 $0x2A40;
	s19 =	simm.s32 $0x2D80  }
.LBB2_3:
.Ltmp4:
0x1c4: {  	(pc) =	sbr.rel .LBB2_6-.Ltmp4, $4  }
0x1c5: {  	s18 =	simm.s32 $0xD00;
	s30 =	simm.s32 $0x1040;
	s29 =	simm.s32 $0x1380  }
0x1c6: {  	s28 =	simm.s32 $0x16C0;
	s26 =	simm.s32 $0x1A00;
	s25 =	simm.s32 $0x1D40  }
0x1c7: {  	s24 =	simm.s32 $0x2080;
	s23 =	simm.s32 $0x23C0;
	s22 =	simm.s32 $0x2700  }
0x1c8: {  	s20 =	simm.s32 $0x2A40;
	s19 =	simm.s32 $0x2D80;
	s17 =	stileid.u32  }
.Lfunc_end2:
_tile_overlayer_lowered:
.L_overlay_start_2:
0x1c9: {  	(tag) =	ssettag $0x2  }
0x1ca: {  	s0 =	rddreg [dreg:$0x0];
	s2 =	stileid.u32  }
0x1cb: {  	s1 =	rddreg [dreg:$0x1];
	p0 =	sne.s32 s2, $0x0  }
0x1cc: {  	s3 =	rddreg [dreg:$0x2];
	[bflag:$0x3] =	sbarrier.arrive $0xFFFF;
	s2 =	simm.s32 @!p0 $0x1C09  }
0x1cd: {  	[timem:s3], [sflag:s2] =	dma.local @!p0 [hbm:s0], s1  }
0x1ce: {  	s0 =	simm.s32 @!p0 $0x9  }
0x1cf: {  	_ =	swait.ge @!p0 [sflag:s0], s1  }
0x1d0: {  	s1 =	ssub.s32 @!p0 $0x0, s1;
	[sflag:s0] =	ssyncset.done @!p0 $0x0  }
0x1d1: {  	[sflag:s0] =	ssyncadd.s32 @!p0 s1  }
0x1d2: {  	[bflag:$0x3] =	sbarrier.arrive $0xFFFF  }
0x1d3: {  	_ =	shalt  }

// kernel: sparse-core-data-format-call.cloned.1.call-start
scs
called_computation_lowered:
.L_overlay_start_0:
0x0: {  	s2 =	sld [smem:$0x3FD9]  }
0x1: {  	s3 =	sld [smem:$0x3FFE];
	_ =	sdelay $0x1  }
0x2: {  	s1 =	srdreg.scid  }
0x3: {  	s0 =	sand.u32 $0x1, s1  }
0x4: {  	s18 =	sshll.u32 s0, $0xA;
	s2 =	sadd.s32 s3, s2  }
0x5: {  	s2 =	sadd.s32 s2, s18  }
0x6: {  	[smem:$0x3FC6] =	sst s2  }
0x7: {  	_ = 	snop  }
0x8: {  	s2 =	sld [smem:$0x3FD0];
	(tm) =	ssettm $0x1  }
0x9: {  	s19 =	sld [smem:$0x3FFB];
	_ =	sdelay $0x3  }
0xa: {  	_ =	strace s19  }
0xb: {  	s3 =	sld [smem:$0x3FFC];
	_ =	sdelay $0x3  }
0xc: {  	_ =	strace s3  }
0xd: {  	s3 =	sld [smem:$0x3FFD];
	_ =	sdelay $0x3  }
0xe: {  	_ =	strace s3  }
0xf: {  	_ =	strace $0x8FFFFFFF  }
0x10: {  	s20 =	sld [smem:$0x3FDB];
	_ =	sdelay $0x1  }
0x11: {  	s4 =	simm.s32 $_scs_section_size  }
0x12: {  	s5 =	simm.s32 $_size__tile_overlayer_lowered;
	s6 =	simm.s32 $_tile_overlayer_lowered  }
0x13: {  	s23 =	simm.s32 $0x1BFF;
	s22 =	sshll.u32 s6, $0x1;
	s3 =	sadd.s32 s4, s20  }
0x14: {  	s7 =	simm.s32 $0x0;
	s21 =	sshll.u32 s5, $0x1;
	s5 =	sadd.s32 s22, s3  }
0x15: {  	[timem:s7], [sflag:s23] =	dma.local [hbm:s5], s21  }
0x16: {  	_ =	swait.ge [sflag:s23], s21  }
0x17: {  	s4 =	ssub.s32 $0x0, s21;
	[sflag:s23] =	ssyncset.done $0x0  }
0x18: {  	[sflag:s23] =	ssyncadd.s32 s4;
	_ =	sdelay $0x1  }
0x19: {  	s24 =	simm.s32 $0x1B8B  }
0x1a: {  	_ =	swait.ge [sflag:s24], $0x1  }
0x1b: {  	[sflag:s24] =	ssyncset.done $0x0  }
0x1c: {  	s26 =	simm.s32 $0x1B8E;
	s25 =	sld [smem:$0x3FFE];
	[sflag:s24] =	ssyncadd.s32 $0xFFFFFFFF  }
0x1d: {  	s27 =	simm.s32 $execute0_lowered;
	[smem:$0x3FD2] =	sst s26  }
0x1e: {  	s5 =	sshll.u32 s27, $0x1;
	_ =	strace $0x80000049;
	[dreg:$0x1] =	wrdreg $0xFFFFFFFF  }
0x1f: {  	s28 =	simm.s32 $_size_execute0_lowered;
	s3 =	sadd.s32 s3, s5;
	[dreg:$0x0] =	wrdreg $0x0  }
0x20: {  	s5 =	sshll.u32 s28, $0x1;
	[dreg:$0x2] =	wrdreg s3  }
0x21: {  	[dreg:$0x3] =	wrdreg s5  }
0x22: {  	[dreg:$0x4] =	wrdreg $0xC0  }
0x23: {  	_ =	task [dreg:s7], $0x5FFFF  }
0x24: {  	[dreg:$0x1] =	wrdreg $0xFFFFFFFF  }
0x25: {  	[dreg:$0x0] =	wrdreg $0x60  }
0x26: {  	[dreg:$0x2] =	wrdreg s25  }
0x27: {  	[dreg:$0x3] =	wrdreg s2  }
0x28: {  	[dreg:$0x4] =	wrdreg $0x9  }
0x29: {  	_ =	task.clear_ibuf [dreg:s7], $0x5FFFF;
	_ =	strace $0x90000049  }
0x2a: {  	s29 =	simm.s32 $0x9;
	_ =	strace $0x8000004B  }
0x2b: {  	_ =	swait.ge [sflag:s29], $0x1  }
0x2c: {  	[sflag:s29] =	ssyncadd.s32 $0xFFFFFFFF  }
0x2d: {  	_ =	strace $0x9000004B  }
0x2e: {  	_ =	sfence  }
0x2f: {  	s30 =	sld [smem:$0x0];
	_ =	sdelay $0x2  }
0x30: {  	s31 =	sshll.u32 s1, $0xD;
	s1 =	sshrl.u32 s1, $0x2  }
0x31: {  	s3 =	sand.u32 $0x4000, s31;
	s1 =	sadd.s32 s1, s30  }
0x32: {  	s0 =	sor.u32 s3, s0;
	s1 =	sshll.u32 s1, $0x11  }
0x33: {  	s0 =	sor.u32 s1, s0  }
0x34: {  	s0 =	sadd.s32 $0x8F2B, s0  }
0x35: {  	[sflag:s0] =	ssyncadd.remote.s32 $0x1  }
0x36: {  	_ =	sfence.sel $0xFFFF  }
0x37: {  	[dreg:$0x0] =	wrdreg $0xFFFFFFFF;
	(pc) =	sbr.abs _section_cstart, $3  }
0x38: {  	[dreg:$0x1] =	wrdreg $0xFFFFFFFF  }
0x39: {  	_ =	task.clear_ibuf [dreg:s7], $0x2FFFF;
	_ =	strace $0x9FFFFFFF  }
0x3a: {  	(tm) =	ssettm $0x7FFFFFFF  }
0x3b: {  	_ =	shalt  }
tec
execute0_lowered:
.L_overlay_start_1:
0x0: {  	(tag) =	ssettag $0x1  }
0x1: {  	s0 =	srdreg.scid  }
0x2: {  	s1 =	sshll.u32 s0, $0x4  }
0x3: {  	s0 =	stileid.u32;
	s1 =	sand.u32 $0x10, s1  }
0x4: {  	s1 =	sor.u32 s0, s1  }
0x5: {  	s6 =	rddreg [dreg:$0x0];
	s4 =	simm.s32 $0x1;
	s2 =	sshll.u32 s1, $0x7  }
0x6: {  	s7 =	simm.s32 $0x2;
	s12 =	simm.s32 $0x0;
	s1 =	ssub.s32 $0x4000, s2  }
0x7: {  	s8 =	simm.s32 $0x20000;
	s13 =	simm.s32 $0x0;
	s3 =	sand.u32 $0xF80, s1  }
0x8: {  	s9 =	simm.s32 $0x0;
	s5 =	sshrl.u32 s1, $0xC;
	p0 =	sne.s32 s3, $0x0  }
.Ltmp0:
0x9: {  	s1 =	rddreg [dreg:$0x2];
	s4 =	simm.s32 @!p0 $0x0;
	(pc) =	sbr.rel .LBB1_1-.Ltmp0, $4  }
0xa: {  	s11 =	simm.s32 $0x0;
	s3 =	rddreg [dreg:$0x1];
	s5 =	sadd.s32 s4, s5  }
0xb: {  	_ =	strace $0x8000004A;
	s4 =	simm.s32 $0x1;
	s5 =	smul.u32 $0x1A, s5  }
0xc: {  	s6 =	sadd.s32 $0xA00, s6;
	s10 =	smov.u32 s2;
	[sflag:s4] =	ssyncpa.u1 $0x0  }
0xd: {  	p0 =	por $0x0, $0x0;
	[sflag:s7] =	ssyncpa.u1 $0x0;
	s7 =	sor.u32 $0x1, s5  }
.LBB1_4:
0xe: {  	s16 =	sshll.u32 s13, $0x3;
	s17 =	sand.u32 $0x78, s13  }
0xf: {  	s30 =	sand.u32 $0xF800, s13;
	s12 =	sshll.u32 s12, $0x10;
	s16 =	sand.u32 $0x3C00, s16  }
0x10: {  	s31 =	sand.u32 $0x7, s13;
	s16 =	sor.u32 s17, s16;
	s17 =	sadd.s32 s3, s30  }
0x11: {  	s13 =	sshll.u32 s31, $0x12;
	s16 =	sshrl.u32 s16, $0x3;
	s12 =	sadd.s32 s12, s17  }
0x12: {  	[tilespmem:s15+$0x0 ss:$0x81] =	vst.msk $0xffff, v0;
	s13 =	sor.u32 $0x400, s13;
	s12 =	sadd.s32 s16, s12  }
0x13: {  	[hbm4b:s12+s13] =	stream.strided.scatter [tilespmem:s14], [sflag:$0x2], $0x1000, s8, s13, $0x20;
	[tilespmem:$0x4040] =	vst v63  }
.LBB1_5:
0x14: {  	s14 =	sadd.s32 $0x1, s9  }
0x15: {  	s12 =	sadd.s32 $0x1000, s10;
	s16 =	smov.u32 s10;
	p2 =	sgt.s32 s14, $0x19  }
0x16: {  	s16 =	smov.u32 @p2 s12  }
0x17: {  	s14 =	simm.s32 @p2 $0x0;
	p2 =	sgt.s32 s16, $0x3FFF  }
0x18: {  	s16 =	smov.u32 @p2 s2;
	p2 =	sne.s32 s11, s7  }
.Ltmp1:
0x19: {  	p1 =	slt.u32 s11, $0x2;
	(pc) =	sbr.rel @!p2 .LBB1_6-.Ltmp1, $4  }
0x1a: {  	s15 =	simm.s32 @!p1 $0x2  }
0x1b: {  	s13 =	smov.u32 s10;
	p0 =	por !p0, !p0;
	_ =	swait.ge @!p1 [sflag:s15], $0x1000  }
0x1c: {  	s12 =	smov.u32 s9;
	[sflag:s15] =	ssyncset.done @!p1 $0x0;
	s9 =	smov.u32 s14  }
0x1d: {  	s11 =	sadd.s32 $0x1, s11;
	[sflag:s15] =	ssyncadd.s32 @!p1 $0xFFFFF000;
	s10 =	smov.u32 s16  }
.LBB1_1:
0x1e: {  	p1 =	sge.u32 s11, s5  }
0x1f: {  	s31 =	sadd.s32 $0xFFFFFFFF, s11;
	s14 =	sxor.u32 @!p1 $0xFFFFFFFF, s11  }
0x20: {  	s15 =	sshll.u32 @!p1 s10, $0x9;
	s16 =	sshll.u32 @!p1 s9, $0x4;
	s17 =	simm.s32 @!p1 $0x1000  }
0x21: {  	s14 =	sshll.u32 @!p1 s14, $0xC;
	s16 =	sand.u32 @!p1 $0x1F0, s16;
	s15 =	sadd.s32 @!p1 s6, s15  }
0x22: {  	s14 =	sand.u32 @!p1 $0x1000, s14;
	s15 =	sadd.s32 @!p1 s16, s15;
	s16 =	simm.s32 @!p1 $0x20  }
0x23: {  	[tilespmem:s14], [sflag:$0x1] =	stream.strided.gather @!p1 [hbm4b:s15+s16], $0x1000, s17, s16, $0x38;
	[tilespmem:$0x4040] =	vst v63  }
0x24: {  	p1 =	sge.u32 s31, s5  }
.Ltmp2:
0x25: {  	_ = 	snop;
	(pc) =	sbr.rel @p1 .LBB1_5-.Ltmp2, $1  }
0x26: {  	_ =	sdelay $0x3  }
0x27: {  	s14 =	simm.s32 $0x1  }
0x28: {  	_ =	swait.ge [sflag:s4], $0x1000;
	s14 =	simm.s32 @!p0 $0x0  }
0x29: {  	[sflag:s4] =	ssyncset.done $0x0;
	s15 =	sshll.u32 s14, $0xC  }
0x2a: {  	[sflag:s4] =	ssyncadd.s32 $0xFFFFF000;
	s18 =	sor.u32 $0x10, s15  }
0x2b: {  	s14 =	smul.u32 $0x4080, s14;
	v1 =	vld [tilespmem:s18+$0x0]  }
0x2c: {  	s30 =	sand.u32 $0x1, s11;
	v0 =	vld [tilespmem:s18+$0xFFFFFFF0]  }
0x2d: {  	s15 =	smul.u32 $0x4080, s30;
	s14 =	sshrl.u32 s14, $0x2  }
0x2e: {  	s16 =	sor.u32 $0x2000, s14  }
0x2f: {  	s31 =	sshrl.u32 s15, $0x2;
	s15 =	sadd.s32 $0x0, s16  }
0x30: {  	s17 =	simm.s32 $0x4;
	s18 =	sadd.s32 $0x20, s18;
	s14 =	sor.u32 $0x2000, s31;
	[tilespmem:s15+$0x810 ss:$0x81] =	vst.msk $0xffff, v1  }
.LBB1_3:
0x31: {  	v1 =	vld [tilespmem:s18+$0x0];
	p1 =	sne.s32 s17, $0x1FC;
	[tilespmem:s15+$0x0 ss:$0x81] =	vst.msk $0xffff, v0;
	s15 =	smov.u32 s17;
	s17 =	sadd.s32 $0x4, s17  }
.Ltmp3:
0x32: {  	v0 =	vld [tilespmem:s18+$0xFFFFFFF0];
	(pc) =	sbr.rel @p1 .LBB1_3-.Ltmp3, $4  }
0x33: {  	_ = 	snop  }
0x34: {  	s15 =	sshra.s32 s15, $0x2  }
0x35: {  	s15 =	sadd.s32 s15, s16  }
0x36: {  	s18 =	sadd.s32 $0x20, s18;
	[tilespmem:s15+$0x810 ss:$0x81] =	vst.msk $0xffff, v1  }
.Ltmp4:
0x37: {  	_ = 	snop;
	(pc) =	sbr.rel .LBB1_4-.Ltmp4, $1  }
0x38: {  	_ =	sdelay $0x3  }
.LBB1_6:
0x39: {  	_ =	sfence.sel $0x180000  }
0x3a: {  	s2 =	simm.s32 $0x1;
	[bflag:$0x0] =	sbarrier.arrive $0xFFFF  }
0x3b: {  	s31 =	simm.s32 $0x2;
	[sflag:s2] =	ssyncpa.u1 $0x1  }
0x3c: {  	[sflag:s31] =	ssyncpa.u1 $0x1  }
0x3d: {  	p0 =	sne.s32 s0, $0x0;
	_ =	strace $0x9000004A  }
0x3e: {  	s0 =	sadd.s32 @!p0 $0x100000, s1;
	[bflag:$0x2] =	sbarrier.arrive $0xFFFF  }
0x3f: {  	[sflag:s0] =	ssyncadd.tile.s32 @!p0 $0x1;
	_ =	shalt  }
.Lfunc_end1:
_tile_overlayer_lowered:
.L_overlay_start_2:
0x40: {  	(tag) =	ssettag $0x2  }
0x41: {  	s0 =	rddreg [dreg:$0x0];
	s2 =	stileid.u32  }
0x42: {  	s1 =	rddreg [dreg:$0x1];
	p0 =	sne.s32 s2, $0x0  }
0x43: {  	s3 =	rddreg [dreg:$0x2];
	[bflag:$0x3] =	sbarrier.arrive $0xFFFF;
	s2 =	simm.s32 @!p0 $0x1C01  }
0x44: {  	[timem:s3], [sflag:s2] =	dma.local @!p0 [hbm:s0], s1  }
0x45: {  	s0 =	simm.s32 @!p0 $0x1  }
0x46: {  	_ =	swait.ge @!p0 [sflag:s0], s1  }
0x47: {  	s1 =	ssub.s32 @!p0 $0x0, s1;
	[sflag:s0] =	ssyncset.done @!p0 $0x0  }
0x48: {  	[sflag:s0] =	ssyncadd.s32 @!p0 s1  }
0x49: {  	[bflag:$0x3] =	sbarrier.arrive $0xFFFF  }
0x4a: {  	_ =	shalt  }

</sc_bundles>
